<compile_context>
chip_gen: v7x
topology: tpu7x:2x2x1
jax: 0.10.2.dev20260603
libtpu: 0.0.44.dev20260713+nightly
codegen_flags: <defaults>
</compile_context>

<pallas_src>
import functools

import jax
import jax.numpy as jnp
from jax import lax
from jax.experimental import pallas as pl
from jax.experimental.pallas import tpu as pltpu
from jax.experimental.pallas import tpu_sc as plsc

B, N, D = 4096, 128, 64
NW = 32
B_SC = 2048
BPW = B_SC // NW
G = 8
L = 16
U = D // L
SIGN_BIT = 0x80000000


def _sc_loss(pred, gt, am):
    mesh = plsc.VectorSubcoreMesh(core_axis_name="c", subcore_axis_name="s")

    @functools.partial(
        pl.kernel,
        mesh=mesh,
        out_type=jax.ShapeDtypeStruct((NW, L), jnp.float32),
        compiler_params=pltpu.CompilerParams(needs_layout_passes=False),
        scratch_types=[
            pltpu.VMEM((N, D), jnp.float32),
            pltpu.VMEM((N, D), jnp.float32),
            pltpu.VMEM((N, D), jnp.float32),
            pltpu.VMEM((N, D), jnp.float32),
            pltpu.VMEM((N, D), jnp.int32),
            pltpu.VMEM((N, D), jnp.int32),
            pltpu.VMEM((U * L,), jnp.float32),
            pltpu.VMEM((L,), jnp.float32),
            pltpu.SemaphoreType.DMA,
            pltpu.SemaphoreType.DMA,
        ],
    )
    def k(pred_hbm, gt_hbm, am_hbm, out_hbm, pred_v0, pred_v1, gt_v0, gt_v1,
          am_v0, am_v1, accb, acc_v, sem0, sem1):
        wid = lax.axis_index("s") * 2 + lax.axis_index("c")
        base_b = wid * BPW
        iota = lax.iota(jnp.int32, L)
        dvecs = [u * L + iota for u in range(U)]
        slots = ((pred_v0, gt_v0, am_v0), (pred_v1, gt_v1, am_v1))

        def start(i, slot, sem):
            b = base_b + i
            pv, gv, av = slots[slot]
            pltpu.async_copy(pred_hbm.at[b], pv, sem)
            pltpu.async_copy(gt_hbm.at[b], gv, sem)
            pltpu.async_copy(am_hbm.at[b], av, sem)

        def drain(i, slot, sem):
            b = base_b + i
            pv, gv, av = slots[slot]
            pltpu.make_async_copy(pred_hbm.at[b], pv, sem).wait()
            pltpu.make_async_copy(gt_hbm.at[b], gv, sem).wait()
            pltpu.make_async_copy(am_hbm.at[b], av, sem).wait()

        def compute(slot):
            pv, gv, av = slots[slot]

            @plsc.parallel_loop(0, N)
            def row(n):
                for u in range(U):
                    s = pl.ds(u * L, L)
                    e = pv[n, s] - gv[n, s]
                    a = av[n, s]
                    u_g = (plsc.load_gather(pv, [a, dvecs[u]])
                           - plsc.load_gather(gv, [a, dvecs[u]]))
                    t = e * jnp.abs(e)
                    r = plsc.bitcast(
                        plsc.bitcast(t, jnp.uint32)
                        ^ (plsc.bitcast(u_g, jnp.uint32)
                           & jnp.uint32(SIGN_BIT)),
                        jnp.float32)
                    plsc.addupdate(accb.at[pl.ds(u * L, L)], r)

        for u in range(U):
            accb[pl.ds(u * L, L)] = jnp.zeros((L,), jnp.float32)
        start(0, 0, sem0)

        def outer(j, carry):
            i0 = 2 * j
            start(i0 + 1, 1, sem1)
            drain(i0, 0, sem0)
            compute(0)
            start((i0 + 2) % BPW, 0, sem0)
            drain(i0 + 1, 1, sem1)
            compute(1)
            return carry

        lax.fori_loop(0, BPW // 2, outer, jnp.int32(0))
        drain(0, 0, sem0)
        acc_v[...] = (accb[pl.ds(0, L)] + accb[pl.ds(L, L)]
                      + accb[pl.ds(2 * L, L)] + accb[pl.ds(3 * L, L)])
        pltpu.sync_copy(acc_v, out_hbm.at[wid])

    return k(pred, gt, am)


def _tc_loss(pred, gt, am):
    grid = ((B - B_SC) // G,)

    def body(p_ref, g_ref, a_ref, out_ref):
        i = pl.program_id(0)
        e = p_ref[...] - g_ref[...]
        t = e * jnp.abs(e)
        a = a_ref[...]
        neg = (e < 0).astype(jnp.int32)
        w = neg.reshape(G, 4, 32, D)
        shifts = lax.broadcasted_iota(jnp.int32, (G, 4, 32, D), 2)
        packed = jnp.sum(w << shifts, axis=2)
        j = a >> 5
        word = jnp.where(j < 2,
                         jnp.where(j == 0, packed[:, 0:1, :],
                                   packed[:, 1:2, :]),
                         jnp.where(j == 2, packed[:, 2:3, :],
                                   packed[:, 3:4, :]))
        bit = (word >> (a & 31)) & 1
        r = lax.bitcast_convert_type(t, jnp.int32) ^ (bit << 31)
        r = lax.bitcast_convert_type(r, jnp.float32)
        s = jnp.sum(r, axis=0)

        @pl.when(i == 0)
        def _():
            out_ref[...] = jnp.zeros_like(out_ref)
        out_ref[...] += s

    return pl.pallas_call(
        body,
        grid=grid,
        in_specs=[
            pl.BlockSpec((G, N, D), lambda i: (B_SC // G + i, 0, 0)),
            pl.BlockSpec((G, N, D), lambda i: (B_SC // G + i, 0, 0)),
            pl.BlockSpec((G, N, D), lambda i: (B_SC // G + i, 0, 0)),
        ],
        out_specs=pl.BlockSpec((N, D), lambda i: (0, 0)),
        out_shape=jax.ShapeDtypeStruct((N, D), jnp.float32),
        compiler_params=pltpu.CompilerParams(
            dimension_semantics=("arbitrary",)),
    )(pred, gt, am)


def kernel(predictions, ground_truth, anchor_masks):
    am = anchor_masks.astype(jnp.int32)
    sc = _sc_loss(predictions, ground_truth, am)
    tc = _tc_loss(predictions, ground_truth, am)
    return (jnp.sum(sc) + jnp.sum(tc)) / jnp.float32(B * N * D)

# --- scband reference (transcript-rebuilt; emitter-appended) ---
"""Pipeline reference for scband-adjusted-constraint-loss-25477746000433 (READ-ONLY COPY).

The authoritative reference and input builder live on the scoring server;
editing this copy changes nothing except your own understanding.
"""

import jax, jax.numpy as jnp
import numpy as np

B, N, D = 4096, 128, 64

def setup_inputs(seed: int = 0) -> dict:
    key = jax.random.key(seed)
    k1, k2, k3 = jax.random.split(key, 3)
    predictions = jax.random.normal(k1, (B, N, D), dtype=jnp.float32)
    ground_truth = jax.random.normal(k2, (B, N, D), dtype=jnp.float32)
    anchor_masks = jax.random.randint(k3, (B, N, D), 0, N).astype(jnp.int64)
    return {"predictions": predictions, "ground_truth": ground_truth, "anchor_masks": anchor_masks}

def reference(predictions, ground_truth, anchor_masks):
    # 3D input path of AdjustedConstraintLoss with reduction='mean'
    prediction_errors = predictions - ground_truth
    squared_errors = prediction_errors ** 2
    error_signs = jnp.sign(prediction_errors)
    has_constraint_correction = anchor_masks > -1
    anchor_error_signs = jnp.where(has_constraint_correction, error_signs, jnp.ones_like(error_signs))
    safe_mask_indices = jnp.where(has_constraint_correction, anchor_masks, jnp.zeros_like(anchor_masks))
    mask_error_signs = jnp.take_along_axis(error_signs, safe_mask_indices, axis=1)
    mask_error_signs = jnp.where(has_constraint_correction, mask_error_signs, jnp.ones_like(mask_error_signs))
    anchor_error_signs = jnp.where(has_constraint_correction, anchor_error_signs, jnp.ones_like(anchor_error_signs))
    adjusted_loss = squared_errors * anchor_error_signs * mask_error_signs
    return jnp.mean(adjusted_loss)

if __name__ == "__main__":
    import jax
    _d = setup_inputs()
    print(jax.jit(kernel)(*tuple(_d.values())))

</pallas_src>

<mosaic_0001>
#map = affine_map<(d0, d1) -> (0, 0, 0)>
#map1 = affine_map<(d0, d1) -> (0, 0)>
module attributes {stable_mosaic.version = 14 : i64} {
  func.func @k(%arg0: i32, %arg1: i32, %arg2: memref<4096x128x64xf32, #tpu.memory_space<hbm>>, %arg3: memref<4096x128x64xf32, #tpu.memory_space<hbm>>, %arg4: memref<4096x128x64xi32, #tpu.memory_space<hbm>>, %arg5: memref<32x16xf32, #tpu.memory_space<hbm>>, %arg6: memref<128x64xf32, #tpu.memory_space<vmem>>, %arg7: memref<128x64xf32, #tpu.memory_space<vmem>>, %arg8: memref<128x64xf32, #tpu.memory_space<vmem>>, %arg9: memref<128x64xf32, #tpu.memory_space<vmem>>, %arg10: memref<128x64xi32, #tpu.memory_space<vmem>>, %arg11: memref<128x64xi32, #tpu.memory_space<vmem>>, %arg12: memref<64xf32, #tpu.memory_space<vmem>>, %arg13: memref<16xf32, #tpu.memory_space<vmem>>, %arg14: memref<!tpu.dma_semaphore, #tpu.memory_space<semaphore_mem>>, %arg15: memref<!tpu.dma_semaphore, #tpu.memory_space<semaphore_mem>>) attributes {dimension_semantics = [#tpu.dimension_semantics<core_parallel>, #tpu.dimension_semantics<subcore_parallel>], iteration_bounds = array<i64: 2, 16>, scalar_prefetch = 0 : i64, scratch_operands = 10 : i64, tpu.core_type = #tpu.core_type<sc_vector_subcore>, window_params = [{transform_indices = #map}, {transform_indices = #map}, {transform_indices = #map}, {transform_indices = #map1}]} {
    %mul3A = arith.constant 2 : i32
    %mul3A_0 = arith.muli %arg1, %mul3A : i32
    %add3A = arith.addi %mul3A_0, %arg0 : i32
    %mul3A_1 = arith.constant 64 : i32
    %mul3A_2 = arith.muli %add3A, %mul3A_1 : i32
    %iota3A = tpu.iota {dimensions = array<i32: 0>} : vector<16xi32>
    %add3A_3 = arith.constant 0 : i32
    %add3A_4 = vector.broadcast %add3A_3 : i32 to vector<16xi32>
    %add3A_5 = arith.addi %add3A_4, %iota3A : vector<16xi32>
    %add3A_6 = arith.constant 16 : i32
    %add3A_7 = vector.broadcast %add3A_6 : i32 to vector<16xi32>
    %add3A_8 = arith.addi %add3A_7, %iota3A : vector<16xi32>
    %add3A_9 = arith.constant 32 : i32
    %add3A_10 = vector.broadcast %add3A_9 : i32 to vector<16xi32>
    %add3A_11 = arith.addi %add3A_10, %iota3A : vector<16xi32>
    %add3A_12 = arith.constant 48 : i32
    %add3A_13 = vector.broadcast %add3A_12 : i32 to vector<16xi32>
    %add3A_14 = arith.addi %add3A_13, %iota3A : vector<16xi32>
    %broadcast_in_dim3A = arith.constant 0.000000e+00 : f32
    %broadcast_in_dim3A_15 = vector.broadcast %broadcast_in_dim3A : f32 to vector<16xf32>
    %swap3A = arith.constant 0 : index
    %swap3A_16 = tpu.vector_load %arg12[%swap3A] {strides = array<i32>} : memref<64xf32, #tpu.memory_space<vmem>>, vector<16xf32>,
    tpu.vector_store %arg12[%swap3A], %broadcast_in_dim3A_15 {strides = array<i32>} : memref<64xf32, #tpu.memory_space<vmem>>, vector<16xf32>,
    %broadcast_in_dim3A_17 = arith.constant 0.000000e+00 : f32
    %broadcast_in_dim3A_18 = vector.broadcast %broadcast_in_dim3A_17 : f32 to vector<16xf32>
    %swap3A_19 = arith.constant 16 : index
    %swap3A_20 = tpu.vector_load %arg12[%swap3A_19] {strides = array<i32>} : memref<64xf32, #tpu.memory_space<vmem>>, vector<16xf32>,
    tpu.vector_store %arg12[%swap3A_19], %broadcast_in_dim3A_18 {strides = array<i32>} : memref<64xf32, #tpu.memory_space<vmem>>, vector<16xf32>,
    %broadcast_in_dim3A_21 = arith.constant 0.000000e+00 : f32
    %broadcast_in_dim3A_22 = vector.broadcast %broadcast_in_dim3A_21 : f32 to vector<16xf32>
    %swap3A_23 = arith.constant 32 : index
    %swap3A_24 = tpu.vector_load %arg12[%swap3A_23] {strides = array<i32>} : memref<64xf32, #tpu.memory_space<vmem>>, vector<16xf32>,
    tpu.vector_store %arg12[%swap3A_23], %broadcast_in_dim3A_22 {strides = array<i32>} : memref<64xf32, #tpu.memory_space<vmem>>, vector<16xf32>,
    %broadcast_in_dim3A_25 = arith.constant 0.000000e+00 : f32
    %broadcast_in_dim3A_26 = vector.broadcast %broadcast_in_dim3A_25 : f32 to vector<16xf32>
    %swap3A_27 = arith.constant 48 : index
    %swap3A_28 = tpu.vector_load %arg12[%swap3A_27] {strides = array<i32>} : memref<64xf32, #tpu.memory_space<vmem>>, vector<16xf32>,
    tpu.vector_store %arg12[%swap3A_27], %broadcast_in_dim3A_26 {strides = array<i32>} : memref<64xf32, #tpu.memory_space<vmem>>, vector<16xf32>,
    %add3A_29 = arith.constant 0 : i32
    %add3A_30 = arith.addi %mul3A_2, %add3A_29 : i32
    %dma_start3A = arith.constant 0 : i32
    %dma_start3A_31 = arith.constant 0 : i32
    %dma_start3A_32 = tpu.memref_slice %arg2[%add3A_30, %dma_start3A, %dma_start3A_31] : memref<4096x128x64xf32, #tpu.memory_space<hbm>> -> memref<1x128x64xf32, #tpu.memory_space<hbm>>
    %dma_start3A_33 = tpu.memref_squeeze %dma_start3A_32 : memref<1x128x64xf32, #tpu.memory_space<hbm>> -> memref<128x64xf32, #tpu.memory_space<hbm>>
    %dma_start3A_34 = arith.constant 0 : i32
    %dma_start3A_35 = arith.constant 0 : i32
    %dma_start3A_36 = tpu.memref_slice %arg2[%add3A_30, %dma_start3A_34, %dma_start3A_35] : memref<4096x128x64xf32, #tpu.memory_space<hbm>> -> memref<1x128x64xf32, #tpu.memory_space<hbm>>
    %dma_start3A_37 = tpu.memref_squeeze %dma_start3A_36 : memref<1x128x64xf32, #tpu.memory_space<hbm>> -> memref<128x64xf32, #tpu.memory_space<hbm>>
    tpu.enqueue_dma source(%dma_start3A_37 : memref<128x64xf32, #tpu.memory_space<hbm>>) target(%arg6 : memref<128x64xf32, #tpu.memory_space<vmem>>) target_semaphore(%arg14 : memref<!tpu.dma_semaphore, #tpu.memory_space<semaphore_mem>>)
    %dma_start3A_38 = arith.constant 0 : i32
    %dma_start3A_39 = arith.constant 0 : i32
    %dma_start3A_40 = tpu.memref_slice %arg3[%add3A_30, %dma_start3A_38, %dma_start3A_39] : memref<4096x128x64xf32, #tpu.memory_space<hbm>> -> memref<1x128x64xf32, #tpu.memory_space<hbm>>
    %dma_start3A_41 = tpu.memref_squeeze %dma_start3A_40 : memref<1x128x64xf32, #tpu.memory_space<hbm>> -> memref<128x64xf32, #tpu.memory_space<hbm>>
    %dma_start3A_42 = arith.constant 0 : i32
    %dma_start3A_43 = arith.constant 0 : i32
    %dma_start3A_44 = tpu.memref_slice %arg3[%add3A_30, %dma_start3A_42, %dma_start3A_43] : memref<4096x128x64xf32, #tpu.memory_space<hbm>> -> memref<1x128x64xf32, #tpu.memory_space<hbm>>
    %dma_start3A_45 = tpu.memref_squeeze %dma_start3A_44 : memref<1x128x64xf32, #tpu.memory_space<hbm>> -> memref<128x64xf32, #tpu.memory_space<hbm>>
    tpu.enqueue_dma source(%dma_start3A_45 : memref<128x64xf32, #tpu.memory_space<hbm>>) target(%arg8 : memref<128x64xf32, #tpu.memory_space<vmem>>) target_semaphore(%arg14 : memref<!tpu.dma_semaphore, #tpu.memory_space<semaphore_mem>>)
    %dma_start3A_46 = arith.constant 0 : i32
    %dma_start3A_47 = arith.constant 0 : i32
    %dma_start3A_48 = tpu.memref_slice %arg4[%add3A_30, %dma_start3A_46, %dma_start3A_47] : memref<4096x128x64xi32, #tpu.memory_space<hbm>> -> memref<1x128x64xi32, #tpu.memory_space<hbm>>
    %dma_start3A_49 = tpu.memref_squeeze %dma_start3A_48 : memref<1x128x64xi32, #tpu.memory_space<hbm>> -> memref<128x64xi32, #tpu.memory_space<hbm>>
    %dma_start3A_50 = arith.constant 0 : i32
    %dma_start3A_51 = arith.constant 0 : i32
    %dma_start3A_52 = tpu.memref_slice %arg4[%add3A_30, %dma_start3A_50, %dma_start3A_51] : memref<4096x128x64xi32, #tpu.memory_space<hbm>> -> memref<1x128x64xi32, #tpu.memory_space<hbm>>
    %dma_start3A_53 = tpu.memref_squeeze %dma_start3A_52 : memref<1x128x64xi32, #tpu.memory_space<hbm>> -> memref<128x64xi32, #tpu.memory_space<hbm>>
    tpu.enqueue_dma source(%dma_start3A_53 : memref<128x64xi32, #tpu.memory_space<hbm>>) target(%arg10 : memref<128x64xi32, #tpu.memory_space<vmem>>) target_semaphore(%arg14 : memref<!tpu.dma_semaphore, #tpu.memory_space<semaphore_mem>>)
    %scan3A = arith.constant 0 : i32
    %scan3A_54 = arith.constant 0 : i32
    %scan3A_55 = arith.constant 32 : i32
    %scan3A_56 = arith.addi %scan3A_54, %scan3A_55 : i32
    %scan3A_57 = arith.constant 1 : i32
    scf.for %scan3A_96 = %scan3A_54 to %scan3A_56 step %scan3A_57  : i32 {
      %mul3A_97 = arith.constant 2 : i32
      %mul3A_98 = arith.muli %mul3A_97, %scan3A_96 : i32
      %add3A_99 = arith.constant 1 : i32
      %add3A_100 = arith.addi %mul3A_98, %add3A_99 : i32
      %add3A_101 = arith.addi %mul3A_2, %add3A_100 : i32
      %dma_start3A_102 = arith.constant 0 : i32
      %dma_start3A_103 = arith.constant 0 : i32
      %dma_start3A_104 = tpu.memref_slice %arg2[%add3A_101, %dma_start3A_102, %dma_start3A_103] : memref<4096x128x64xf32, #tpu.memory_space<hbm>> -> memref<1x128x64xf32, #tpu.memory_space<hbm>>
      %dma_start3A_105 = tpu.memref_squeeze %dma_start3A_104 : memref<1x128x64xf32, #tpu.memory_space<hbm>> -> memref<128x64xf32, #tpu.memory_space<hbm>>
      %dma_start3A_106 = arith.constant 0 : i32
      %dma_start3A_107 = arith.constant 0 : i32
      %dma_start3A_108 = tpu.memref_slice %arg2[%add3A_101, %dma_start3A_106, %dma_start3A_107] : memref<4096x128x64xf32, #tpu.memory_space<hbm>> -> memref<1x128x64xf32, #tpu.memory_space<hbm>>
      %dma_start3A_109 = tpu.memref_squeeze %dma_start3A_108 : memref<1x128x64xf32, #tpu.memory_space<hbm>> -> memref<128x64xf32, #tpu.memory_space<hbm>>
      tpu.enqueue_dma source(%dma_start3A_109 : memref<128x64xf32, #tpu.memory_space<hbm>>) target(%arg7 : memref<128x64xf32, #tpu.memory_space<vmem>>) target_semaphore(%arg15 : memref<!tpu.dma_semaphore, #tpu.memory_space<semaphore_mem>>)
      %dma_start3A_110 = arith.constant 0 : i32
      %dma_start3A_111 = arith.constant 0 : i32
      %dma_start3A_112 = tpu.memref_slice %arg3[%add3A_101, %dma_start3A_110, %dma_start3A_111] : memref<4096x128x64xf32, #tpu.memory_space<hbm>> -> memref<1x128x64xf32, #tpu.memory_space<hbm>>
      %dma_start3A_113 = tpu.memref_squeeze %dma_start3A_112 : memref<1x128x64xf32, #tpu.memory_space<hbm>> -> memref<128x64xf32, #tpu.memory_space<hbm>>
      %dma_start3A_114 = arith.constant 0 : i32
      %dma_start3A_115 = arith.constant 0 : i32
      %dma_start3A_116 = tpu.memref_slice %arg3[%add3A_101, %dma_start3A_114, %dma_start3A_115] : memref<4096x128x64xf32, #tpu.memory_space<hbm>> -> memref<1x128x64xf32, #tpu.memory_space<hbm>>
      %dma_start3A_117 = tpu.memref_squeeze %dma_start3A_116 : memref<1x128x64xf32, #tpu.memory_space<hbm>> -> memref<128x64xf32, #tpu.memory_space<hbm>>
      tpu.enqueue_dma source(%dma_start3A_117 : memref<128x64xf32, #tpu.memory_space<hbm>>) target(%arg9 : memref<128x64xf32, #tpu.memory_space<vmem>>) target_semaphore(%arg15 : memref<!tpu.dma_semaphore, #tpu.memory_space<semaphore_mem>>)
      %dma_start3A_118 = arith.constant 0 : i32
      %dma_start3A_119 = arith.constant 0 : i32
      %dma_start3A_120 = tpu.memref_slice %arg4[%add3A_101, %dma_start3A_118, %dma_start3A_119] : memref<4096x128x64xi32, #tpu.memory_space<hbm>> -> memref<1x128x64xi32, #tpu.memory_space<hbm>>
      %dma_start3A_121 = tpu.memref_squeeze %dma_start3A_120 : memref<1x128x64xi32, #tpu.memory_space<hbm>> -> memref<128x64xi32, #tpu.memory_space<hbm>>
      %dma_start3A_122 = arith.constant 0 : i32
      %dma_start3A_123 = arith.constant 0 : i32
      %dma_start3A_124 = tpu.memref_slice %arg4[%add3A_101, %dma_start3A_122, %dma_start3A_123] : memref<4096x128x64xi32, #tpu.memory_space<hbm>> -> memref<1x128x64xi32, #tpu.memory_space<hbm>>
      %dma_start3A_125 = tpu.memref_squeeze %dma_start3A_124 : memref<1x128x64xi32, #tpu.memory_space<hbm>> -> memref<128x64xi32, #tpu.memory_space<hbm>>
      tpu.enqueue_dma source(%dma_start3A_125 : memref<128x64xi32, #tpu.memory_space<hbm>>) target(%arg11 : memref<128x64xi32, #tpu.memory_space<vmem>>) target_semaphore(%arg15 : memref<!tpu.dma_semaphore, #tpu.memory_space<semaphore_mem>>)
      %add3A_126 = arith.addi %mul3A_2, %mul3A_98 : i32
      %dma_wait3A_127 = arith.constant 0 : i32
      %dma_wait3A_128 = arith.constant 0 : i32
      %dma_wait3A_129 = tpu.memref_slice %arg2[%add3A_126, %dma_wait3A_127, %dma_wait3A_128] : memref<4096x128x64xf32, #tpu.memory_space<hbm>> -> memref<1x128x64xf32, #tpu.memory_space<hbm>>
      %dma_wait3A_130 = tpu.memref_squeeze %dma_wait3A_129 : memref<1x128x64xf32, #tpu.memory_space<hbm>> -> memref<128x64xf32, #tpu.memory_space<hbm>>
      %dma_wait3A_131 = arith.constant 0 : i32
      %dma_wait3A_132 = arith.constant 0 : i32
      %dma_wait3A_133 = tpu.memref_slice %arg2[%add3A_126, %dma_wait3A_131, %dma_wait3A_132] : memref<4096x128x64xf32, #tpu.memory_space<hbm>> -> memref<1x128x64xf32, #tpu.memory_space<hbm>>
      %dma_wait3A_134 = tpu.memref_squeeze %dma_wait3A_133 : memref<1x128x64xf32, #tpu.memory_space<hbm>> -> memref<128x64xf32, #tpu.memory_space<hbm>>
      tpu.wait_dma2 semaphore(%arg14 : memref<!tpu.dma_semaphore, #tpu.memory_space<semaphore_mem>>) src(%dma_wait3A_134 : memref<128x64xf32, #tpu.memory_space<hbm>>) dst(%arg6 : memref<128x64xf32, #tpu.memory_space<vmem>>)
      %dma_wait3A_135 = arith.constant 0 : i32
      %dma_wait3A_136 = arith.constant 0 : i32
      %dma_wait3A_137 = tpu.memref_slice %arg3[%add3A_126, %dma_wait3A_135, %dma_wait3A_136] : memref<4096x128x64xf32, #tpu.memory_space<hbm>> -> memref<1x128x64xf32, #tpu.memory_space<hbm>>
      %dma_wait3A_138 = tpu.memref_squeeze %dma_wait3A_137 : memref<1x128x64xf32, #tpu.memory_space<hbm>> -> memref<128x64xf32, #tpu.memory_space<hbm>>
      %dma_wait3A_139 = arith.constant 0 : i32
      %dma_wait3A_140 = arith.constant 0 : i32
      %dma_wait3A_141 = tpu.memref_slice %arg3[%add3A_126, %dma_wait3A_139, %dma_wait3A_140] : memref<4096x128x64xf32, #tpu.memory_space<hbm>> -> memref<1x128x64xf32, #tpu.memory_space<hbm>>
      %dma_wait3A_142 = tpu.memref_squeeze %dma_wait3A_141 : memref<1x128x64xf32, #tpu.memory_space<hbm>> -> memref<128x64xf32, #tpu.memory_space<hbm>>
      tpu.wait_dma2 semaphore(%arg14 : memref<!tpu.dma_semaphore, #tpu.memory_space<semaphore_mem>>) src(%dma_wait3A_142 : memref<128x64xf32, #tpu.memory_space<hbm>>) dst(%arg8 : memref<128x64xf32, #tpu.memory_space<vmem>>)
      %dma_wait3A_143 = arith.constant 0 : i32
      %dma_wait3A_144 = arith.constant 0 : i32
      %dma_wait3A_145 = tpu.memref_slice %arg4[%add3A_126, %dma_wait3A_143, %dma_wait3A_144] : memref<4096x128x64xi32, #tpu.memory_space<hbm>> -> memref<1x128x64xi32, #tpu.memory_space<hbm>>
      %dma_wait3A_146 = tpu.memref_squeeze %dma_wait3A_145 : memref<1x128x64xi32, #tpu.memory_space<hbm>> -> memref<128x64xi32, #tpu.memory_space<hbm>>
      %dma_wait3A_147 = arith.constant 0 : i32
      %dma_wait3A_148 = arith.constant 0 : i32
      %dma_wait3A_149 = tpu.memref_slice %arg4[%add3A_126, %dma_wait3A_147, %dma_wait3A_148] : memref<4096x128x64xi32, #tpu.memory_space<hbm>> -> memref<1x128x64xi32, #tpu.memory_space<hbm>>
      %dma_wait3A_150 = tpu.memref_squeeze %dma_wait3A_149 : memref<1x128x64xi32, #tpu.memory_space<hbm>> -> memref<128x64xi32, #tpu.memory_space<hbm>>
      tpu.wait_dma2 semaphore(%arg14 : memref<!tpu.dma_semaphore, #tpu.memory_space<semaphore_mem>>) src(%dma_wait3A_150 : memref<128x64xi32, #tpu.memory_space<hbm>>) dst(%arg10 : memref<128x64xi32, #tpu.memory_space<vmem>>)
      %parallel_loop3A = arith.constant 0 : i32
      %parallel_loop3A_151 = arith.constant 128 : i32
      %parallel_loop3A_152 = arith.constant 1 : i32
      scf.for %parallel_loop3A_219 = %parallel_loop3A to %parallel_loop3A_151 step %parallel_loop3A_152  : i32 {
        %parallel_loop3A_220 = arith.index_cast %parallel_loop3A_219 : i32 to index
        %parallel_loop3A_221 = arith.constant 0 : index
        %parallel_loop3A_222 = tpu.vector_load %arg6[%parallel_loop3A_220, %parallel_loop3A_221] {strides = array<i32>} : memref<128x64xf32, #tpu.memory_space<vmem>>, vector<16xf32>,
        %parallel_loop3A_223 = arith.index_cast %parallel_loop3A_219 : i32 to index
        %parallel_loop3A_224 = arith.constant 0 : index
        %parallel_loop3A_225 = tpu.vector_load %arg8[%parallel_loop3A_223, %parallel_loop3A_224] {strides = array<i32>} : memref<128x64xf32, #tpu.memory_space<vmem>>, vector<16xf32>,
        %parallel_loop3A_226 = arith.subf %parallel_loop3A_222, %parallel_loop3A_225 : vector<16xf32>
        %parallel_loop3A_227 = arith.index_cast %parallel_loop3A_219 : i32 to index
        %parallel_loop3A_228 = arith.constant 0 : index
        %parallel_loop3A_229 = tpu.vector_load %arg10[%parallel_loop3A_227, %parallel_loop3A_228] {strides = array<i32>} : memref<128x64xi32, #tpu.memory_space<vmem>>, vector<16xi32>,
        %parallel_loop3A_230 = tpu.vector_load_idx %arg6[%parallel_loop3A_229, %add3A_5] : memref<128x64xf32, #tpu.memory_space<vmem>>[vector<16xi32>, vector<16xi32>], vector<16xf32>,
        %parallel_loop3A_231 = tpu.vector_load_idx %arg8[%parallel_loop3A_229, %add3A_5] : memref<128x64xf32, #tpu.memory_space<vmem>>[vector<16xi32>, vector<16xi32>], vector<16xf32>,
        %parallel_loop3A_232 = arith.subf %parallel_loop3A_230, %parallel_loop3A_231 : vector<16xf32>
        %parallel_loop3A_233 = math.absf %parallel_loop3A_226 : vector<16xf32>
        %parallel_loop3A_234 = arith.mulf %parallel_loop3A_226, %parallel_loop3A_233 : vector<16xf32>
        %parallel_loop3A_235 = vector.bitcast %parallel_loop3A_234 : vector<16xf32> to vector<16xi32>
        %parallel_loop3A_236 = vector.bitcast %parallel_loop3A_232 : vector<16xf32> to vector<16xi32>
        %parallel_loop3A_237 = arith.constant -2147483648 : i32
        %parallel_loop3A_238 = vector.broadcast %parallel_loop3A_237 : i32 to vector<16xi32>
        %parallel_loop3A_239 = arith.andi %parallel_loop3A_236, %parallel_loop3A_238 : vector<16xi32>
        %parallel_loop3A_240 = arith.xori %parallel_loop3A_235, %parallel_loop3A_239 : vector<16xi32>
        %parallel_loop3A_241 = vector.bitcast %parallel_loop3A_240 : vector<16xi32> to vector<16xf32>
        %parallel_loop3A_242 = arith.constant 0 : index
        %parallel_loop3A_243 = tpu.vector_load %arg12[%parallel_loop3A_242] {strides = array<i32>} : memref<64xf32, #tpu.memory_space<vmem>>, vector<16xf32>,
        tpu.vector_store %arg12[%parallel_loop3A_242], %parallel_loop3A_241 {add = true, strides = array<i32>} : memref<64xf32, #tpu.memory_space<vmem>>, vector<16xf32>,
        %parallel_loop3A_244 = arith.index_cast %parallel_loop3A_219 : i32 to index
        %parallel_loop3A_245 = arith.constant 16 : index
        %parallel_loop3A_246 = tpu.vector_load %arg6[%parallel_loop3A_244, %parallel_loop3A_245] {strides = array<i32>} : memref<128x64xf32, #tpu.memory_space<vmem>>, vector<16xf32>,
        %parallel_loop3A_247 = arith.index_cast %parallel_loop3A_219 : i32 to index
        %parallel_loop3A_248 = arith.constant 16 : index
        %parallel_loop3A_249 = tpu.vector_load %arg8[%parallel_loop3A_247, %parallel_loop3A_248] {strides = array<i32>} : memref<128x64xf32, #tpu.memory_space<vmem>>, vector<16xf32>,
        %parallel_loop3A_250 = arith.subf %parallel_loop3A_246, %parallel_loop3A_249 : vector<16xf32>
        %parallel_loop3A_251 = arith.index_cast %parallel_loop3A_219 : i32 to index
        %parallel_loop3A_252 = arith.constant 16 : index
        %parallel_loop3A_253 = tpu.vector_load %arg10[%parallel_loop3A_251, %parallel_loop3A_252] {strides = array<i32>} : memref<128x64xi32, #tpu.memory_space<vmem>>, vector<16xi32>,
        %parallel_loop3A_254 = tpu.vector_load_idx %arg6[%parallel_loop3A_253, %add3A_8] : memref<128x64xf32, #tpu.memory_space<vmem>>[vector<16xi32>, vector<16xi32>], vector<16xf32>,
        %parallel_loop3A_255 = tpu.vector_load_idx %arg8[%parallel_loop3A_253, %add3A_8] : memref<128x64xf32, #tpu.memory_space<vmem>>[vector<16xi32>, vector<16xi32>], vector<16xf32>,
        %parallel_loop3A_256 = arith.subf %parallel_loop3A_254, %parallel_loop3A_255 : vector<16xf32>
        %parallel_loop3A_257 = math.absf %parallel_loop3A_250 : vector<16xf32>
        %parallel_loop3A_258 = arith.mulf %parallel_loop3A_250, %parallel_loop3A_257 : vector<16xf32>
        %parallel_loop3A_259 = vector.bitcast %parallel_loop3A_258 : vector<16xf32> to vector<16xi32>
        %parallel_loop3A_260 = vector.bitcast %parallel_loop3A_256 : vector<16xf32> to vector<16xi32>
        %parallel_loop3A_261 = arith.constant -2147483648 : i32
        %parallel_loop3A_262 = vector.broadcast %parallel_loop3A_261 : i32 to vector<16xi32>
        %parallel_loop3A_263 = arith.andi %parallel_loop3A_260, %parallel_loop3A_262 : vector<16xi32>
        %parallel_loop3A_264 = arith.xori %parallel_loop3A_259, %parallel_loop3A_263 : vector<16xi32>
        %parallel_loop3A_265 = vector.bitcast %parallel_loop3A_264 : vector<16xi32> to vector<16xf32>
        %parallel_loop3A_266 = arith.constant 16 : index
        %parallel_loop3A_267 = tpu.vector_load %arg12[%parallel_loop3A_266] {strides = array<i32>} : memref<64xf32, #tpu.memory_space<vmem>>, vector<16xf32>,
        tpu.vector_store %arg12[%parallel_loop3A_266], %parallel_loop3A_265 {add = true, strides = array<i32>} : memref<64xf32, #tpu.memory_space<vmem>>, vector<16xf32>,
        %parallel_loop3A_268 = arith.index_cast %parallel_loop3A_219 : i32 to index
        %parallel_loop3A_269 = arith.constant 32 : index
        %parallel_loop3A_270 = tpu.vector_load %arg6[%parallel_loop3A_268, %parallel_loop3A_269] {strides = array<i32>} : memref<128x64xf32, #tpu.memory_space<vmem>>, vector<16xf32>,
        %parallel_loop3A_271 = arith.index_cast %parallel_loop3A_219 : i32 to index
        %parallel_loop3A_272 = arith.constant 32 : index
        %parallel_loop3A_273 = tpu.vector_load %arg8[%parallel_loop3A_271, %parallel_loop3A_272] {strides = array<i32>} : memref<128x64xf32, #tpu.memory_space<vmem>>, vector<16xf32>,
        %parallel_loop3A_274 = arith.subf %parallel_loop3A_270, %parallel_loop3A_273 : vector<16xf32>
        %parallel_loop3A_275 = arith.index_cast %parallel_loop3A_219 : i32 to index
        %parallel_loop3A_276 = arith.constant 32 : index
        %parallel_loop3A_277 = tpu.vector_load %arg10[%parallel_loop3A_275, %parallel_loop3A_276] {strides = array<i32>} : memref<128x64xi32, #tpu.memory_space<vmem>>, vector<16xi32>,
        %parallel_loop3A_278 = tpu.vector_load_idx %arg6[%parallel_loop3A_277, %add3A_11] : memref<128x64xf32, #tpu.memory_space<vmem>>[vector<16xi32>, vector<16xi32>], vector<16xf32>,
        %parallel_loop3A_279 = tpu.vector_load_idx %arg8[%parallel_loop3A_277, %add3A_11] : memref<128x64xf32, #tpu.memory_space<vmem>>[vector<16xi32>, vector<16xi32>], vector<16xf32>,
        %parallel_loop3A_280 = arith.subf %parallel_loop3A_278, %parallel_loop3A_279 : vector<16xf32>
        %parallel_loop3A_281 = math.absf %parallel_loop3A_274 : vector<16xf32>
        %parallel_loop3A_282 = arith.mulf %parallel_loop3A_274, %parallel_loop3A_281 : vector<16xf32>
        %parallel_loop3A_283 = vector.bitcast %parallel_loop3A_282 : vector<16xf32> to vector<16xi32>
        %parallel_loop3A_284 = vector.bitcast %parallel_loop3A_280 : vector<16xf32> to vector<16xi32>
        %parallel_loop3A_285 = arith.constant -2147483648 : i32
        %parallel_loop3A_286 = vector.broadcast %parallel_loop3A_285 : i32 to vector<16xi32>
        %parallel_loop3A_287 = arith.andi %parallel_loop3A_284, %parallel_loop3A_286 : vector<16xi32>
        %parallel_loop3A_288 = arith.xori %parallel_loop3A_283, %parallel_loop3A_287 : vector<16xi32>
        %parallel_loop3A_289 = vector.bitcast %parallel_loop3A_288 : vector<16xi32> to vector<16xf32>
        %parallel_loop3A_290 = arith.constant 32 : index
        %parallel_loop3A_291 = tpu.vector_load %arg12[%parallel_loop3A_290] {strides = array<i32>} : memref<64xf32, #tpu.memory_space<vmem>>, vector<16xf32>,
        tpu.vector_store %arg12[%parallel_loop3A_290], %parallel_loop3A_289 {add = true, strides = array<i32>} : memref<64xf32, #tpu.memory_space<vmem>>, vector<16xf32>,
        %parallel_loop3A_292 = arith.index_cast %parallel_loop3A_219 : i32 to index
        %parallel_loop3A_293 = arith.constant 48 : index
        %parallel_loop3A_294 = tpu.vector_load %arg6[%parallel_loop3A_292, %parallel_loop3A_293] {strides = array<i32>} : memref<128x64xf32, #tpu.memory_space<vmem>>, vector<16xf32>,
        %parallel_loop3A_295 = arith.index_cast %parallel_loop3A_219 : i32 to index
        %parallel_loop3A_296 = arith.constant 48 : index
        %parallel_loop3A_297 = tpu.vector_load %arg8[%parallel_loop3A_295, %parallel_loop3A_296] {strides = array<i32>} : memref<128x64xf32, #tpu.memory_space<vmem>>, vector<16xf32>,
        %parallel_loop3A_298 = arith.subf %parallel_loop3A_294, %parallel_loop3A_297 : vector<16xf32>
        %parallel_loop3A_299 = arith.index_cast %parallel_loop3A_219 : i32 to index
        %parallel_loop3A_300 = arith.constant 48 : index
        %parallel_loop3A_301 = tpu.vector_load %arg10[%parallel_loop3A_299, %parallel_loop3A_300] {strides = array<i32>} : memref<128x64xi32, #tpu.memory_space<vmem>>, vector<16xi32>,
        %parallel_loop3A_302 = tpu.vector_load_idx %arg6[%parallel_loop3A_301, %add3A_14] : memref<128x64xf32, #tpu.memory_space<vmem>>[vector<16xi32>, vector<16xi32>], vector<16xf32>,
        %parallel_loop3A_303 = tpu.vector_load_idx %arg8[%parallel_loop3A_301, %add3A_14] : memref<128x64xf32, #tpu.memory_space<vmem>>[vector<16xi32>, vector<16xi32>], vector<16xf32>,
        %parallel_loop3A_304 = arith.subf %parallel_loop3A_302, %parallel_loop3A_303 : vector<16xf32>
        %parallel_loop3A_305 = math.absf %parallel_loop3A_298 : vector<16xf32>
        %parallel_loop3A_306 = arith.mulf %parallel_loop3A_298, %parallel_loop3A_305 : vector<16xf32>
        %parallel_loop3A_307 = vector.bitcast %parallel_loop3A_306 : vector<16xf32> to vector<16xi32>
        %parallel_loop3A_308 = vector.bitcast %parallel_loop3A_304 : vector<16xf32> to vector<16xi32>
        %parallel_loop3A_309 = arith.constant -2147483648 : i32
        %parallel_loop3A_310 = vector.broadcast %parallel_loop3A_309 : i32 to vector<16xi32>
        %parallel_loop3A_311 = arith.andi %parallel_loop3A_308, %parallel_loop3A_310 : vector<16xi32>
        %parallel_loop3A_312 = arith.xori %parallel_loop3A_307, %parallel_loop3A_311 : vector<16xi32>
        %parallel_loop3A_313 = vector.bitcast %parallel_loop3A_312 : vector<16xi32> to vector<16xf32>
        %parallel_loop3A_314 = arith.constant 48 : index
        %parallel_loop3A_315 = tpu.vector_load %arg12[%parallel_loop3A_314] {strides = array<i32>} : memref<64xf32, #tpu.memory_space<vmem>>, vector<16xf32>,
        tpu.vector_store %arg12[%parallel_loop3A_314], %parallel_loop3A_313 {add = true, strides = array<i32>} : memref<64xf32, #tpu.memory_space<vmem>>, vector<16xf32>,
      } {sc.loop_unroll_factor = 1 : i64, sc.parallel_access}
      %add3A_153 = arith.constant 2 : i32
      %add3A_154 = arith.addi %mul3A_98, %add3A_153 : i32
      %jit3A = arith.constant 64 : i32
      %eq3A = arith.constant 0 : i32
      %eq3A_155 = arith.cmpi eq, %jit3A, %eq3A : i32
      %jit3A_156 = arith.constant 1 : i32
      %select_n3A = arith.select %eq3A_155, %jit3A_156, %jit3A : i32
      %rem3A = arith.remsi %add3A_154, %select_n3A : i32
      %ne3A = arith.constant 0 : i32
      %ne3A_157 = arith.cmpi ne, %rem3A, %ne3A : i32
      %lt3A = arith.constant 0 : i32
      %lt3A_158 = arith.cmpi slt, %rem3A, %lt3A : i32
      %lt3A_159 = arith.constant 0 : i32
      %lt3A_160 = arith.cmpi slt, %select_n3A, %lt3A_159 : i32
      %ne3A_161 = arith.xori %lt3A_158, %lt3A_160 : i1
      %and3A = arith.andi %ne3A_161, %ne3A_157 : i1
      %add3A_162 = arith.addi %rem3A, %select_n3A : i32
      %select_n3A_163 = arith.select %and3A, %add3A_162, %rem3A : i32
      %add3A_164 = arith.addi %mul3A_2, %select_n3A_163 : i32
      %dma_start3A_165 = arith.constant 0 : i32
      %dma_start3A_166 = arith.constant 0 : i32
      %dma_start3A_167 = tpu.memref_slice %arg2[%add3A_164, %dma_start3A_165, %dma_start3A_166] : memref<4096x128x64xf32, #tpu.memory_space<hbm>> -> memref<1x128x64xf32, #tpu.memory_space<hbm>>
      %dma_start3A_168 = tpu.memref_squeeze %dma_start3A_167 : memref<1x128x64xf32, #tpu.memory_space<hbm>> -> memref<128x64xf32, #tpu.memory_space<hbm>>
      %dma_start3A_169 = arith.constant 0 : i32
      %dma_start3A_170 = arith.constant 0 : i32
      %dma_start3A_171 = tpu.memref_slice %arg2[%add3A_164, %dma_start3A_169, %dma_start3A_170] : memref<4096x128x64xf32, #tpu.memory_space<hbm>> -> memref<1x128x64xf32, #tpu.memory_space<hbm>>
      %dma_start3A_172 = tpu.memref_squeeze %dma_start3A_171 : memref<1x128x64xf32, #tpu.memory_space<hbm>> -> memref<128x64xf32, #tpu.memory_space<hbm>>
      tpu.enqueue_dma source(%dma_start3A_172 : memref<128x64xf32, #tpu.memory_space<hbm>>) target(%arg6 : memref<128x64xf32, #tpu.memory_space<vmem>>) target_semaphore(%arg14 : memref<!tpu.dma_semaphore, #tpu.memory_space<semaphore_mem>>)
      %dma_start3A_173 = arith.constant 0 : i32
      %dma_start3A_174 = arith.constant 0 : i32
      %dma_start3A_175 = tpu.memref_slice %arg3[%add3A_164, %dma_start3A_173, %dma_start3A_174] : memref<4096x128x64xf32, #tpu.memory_space<hbm>> -> memref<1x128x64xf32, #tpu.memory_space<hbm>>
      %dma_start3A_176 = tpu.memref_squeeze %dma_start3A_175 : memref<1x128x64xf32, #tpu.memory_space<hbm>> -> memref<128x64xf32, #tpu.memory_space<hbm>>
      %dma_start3A_177 = arith.constant 0 : i32
      %dma_start3A_178 = arith.constant 0 : i32
      %dma_start3A_179 = tpu.memref_slice %arg3[%add3A_164, %dma_start3A_177, %dma_start3A_178] : memref<4096x128x64xf32, #tpu.memory_space<hbm>> -> memref<1x128x64xf32, #tpu.memory_space<hbm>>
      %dma_start3A_180 = tpu.memref_squeeze %dma_start3A_179 : memref<1x128x64xf32, #tpu.memory_space<hbm>> -> memref<128x64xf32, #tpu.memory_space<hbm>>
      tpu.enqueue_dma source(%dma_start3A_180 : memref<128x64xf32, #tpu.memory_space<hbm>>) target(%arg8 : memref<128x64xf32, #tpu.memory_space<vmem>>) target_semaphore(%arg14 : memref<!tpu.dma_semaphore, #tpu.memory_space<semaphore_mem>>)
      %dma_start3A_181 = arith.constant 0 : i32
      %dma_start3A_182 = arith.constant 0 : i32
      %dma_start3A_183 = tpu.memref_slice %arg4[%add3A_164, %dma_start3A_181, %dma_start3A_182] : memref<4096x128x64xi32, #tpu.memory_space<hbm>> -> memref<1x128x64xi32, #tpu.memory_space<hbm>>
      %dma_start3A_184 = tpu.memref_squeeze %dma_start3A_183 : memref<1x128x64xi32, #tpu.memory_space<hbm>> -> memref<128x64xi32, #tpu.memory_space<hbm>>
      %dma_start3A_185 = arith.constant 0 : i32
      %dma_start3A_186 = arith.constant 0 : i32
      %dma_start3A_187 = tpu.memref_slice %arg4[%add3A_164, %dma_start3A_185, %dma_start3A_186] : memref<4096x128x64xi32, #tpu.memory_space<hbm>> -> memref<1x128x64xi32, #tpu.memory_space<hbm>>
      %dma_start3A_188 = tpu.memref_squeeze %dma_start3A_187 : memref<1x128x64xi32, #tpu.memory_space<hbm>> -> memref<128x64xi32, #tpu.memory_space<hbm>>
      tpu.enqueue_dma source(%dma_start3A_188 : memref<128x64xi32, #tpu.memory_space<hbm>>) target(%arg10 : memref<128x64xi32, #tpu.memory_space<vmem>>) target_semaphore(%arg14 : memref<!tpu.dma_semaphore, #tpu.memory_space<semaphore_mem>>)
      %add3A_189 = arith.constant 1 : i32
      %add3A_190 = arith.addi %mul3A_98, %add3A_189 : i32
      %add3A_191 = arith.addi %mul3A_2, %add3A_190 : i32
      %dma_wait3A_192 = arith.constant 0 : i32
      %dma_wait3A_193 = arith.constant 0 : i32
      %dma_wait3A_194 = tpu.memref_slice %arg2[%add3A_191, %dma_wait3A_192, %dma_wait3A_193] : memref<4096x128x64xf32, #tpu.memory_space<hbm>> -> memref<1x128x64xf32, #tpu.memory_space<hbm>>
      %dma_wait3A_195 = tpu.memref_squeeze %dma_wait3A_194 : memref<1x128x64xf32, #tpu.memory_space<hbm>> -> memref<128x64xf32, #tpu.memory_space<hbm>>
      %dma_wait3A_196 = arith.constant 0 : i32
      %dma_wait3A_197 = arith.constant 0 : i32
      %dma_wait3A_198 = tpu.memref_slice %arg2[%add3A_191, %dma_wait3A_196, %dma_wait3A_197] : memref<4096x128x64xf32, #tpu.memory_space<hbm>> -> memref<1x128x64xf32, #tpu.memory_space<hbm>>
      %dma_wait3A_199 = tpu.memref_squeeze %dma_wait3A_198 : memref<1x128x64xf32, #tpu.memory_space<hbm>> -> memref<128x64xf32, #tpu.memory_space<hbm>>
      tpu.wait_dma2 semaphore(%arg15 : memref<!tpu.dma_semaphore, #tpu.memory_space<semaphore_mem>>) src(%dma_wait3A_199 : memref<128x64xf32, #tpu.memory_space<hbm>>) dst(%arg7 : memref<128x64xf32, #tpu.memory_space<vmem>>)
      %dma_wait3A_200 = arith.constant 0 : i32
      %dma_wait3A_201 = arith.constant 0 : i32
      %dma_wait3A_202 = tpu.memref_slice %arg3[%add3A_191, %dma_wait3A_200, %dma_wait3A_201] : memref<4096x128x64xf32, #tpu.memory_space<hbm>> -> memref<1x128x64xf32, #tpu.memory_space<hbm>>
      %dma_wait3A_203 = tpu.memref_squeeze %dma_wait3A_202 : memref<1x128x64xf32, #tpu.memory_space<hbm>> -> memref<128x64xf32, #tpu.memory_space<hbm>>
      %dma_wait3A_204 = arith.constant 0 : i32
      %dma_wait3A_205 = arith.constant 0 : i32
      %dma_wait3A_206 = tpu.memref_slice %arg3[%add3A_191, %dma_wait3A_204, %dma_wait3A_205] : memref<4096x128x64xf32, #tpu.memory_space<hbm>> -> memref<1x128x64xf32, #tpu.memory_space<hbm>>
      %dma_wait3A_207 = tpu.memref_squeeze %dma_wait3A_206 : memref<1x128x64xf32, #tpu.memory_space<hbm>> -> memref<128x64xf32, #tpu.memory_space<hbm>>
      tpu.wait_dma2 semaphore(%arg15 : memref<!tpu.dma_semaphore, #tpu.memory_space<semaphore_mem>>) src(%dma_wait3A_207 : memref<128x64xf32, #tpu.memory_space<hbm>>) dst(%arg9 : memref<128x64xf32, #tpu.memory_space<vmem>>)
      %dma_wait3A_208 = arith.constant 0 : i32
      %dma_wait3A_209 = arith.constant 0 : i32
      %dma_wait3A_210 = tpu.memref_slice %arg4[%add3A_191, %dma_wait3A_208, %dma_wait3A_209] : memref<4096x128x64xi32, #tpu.memory_space<hbm>> -> memref<1x128x64xi32, #tpu.memory_space<hbm>>
      %dma_wait3A_211 = tpu.memref_squeeze %dma_wait3A_210 : memref<1x128x64xi32, #tpu.memory_space<hbm>> -> memref<128x64xi32, #tpu.memory_space<hbm>>
      %dma_wait3A_212 = arith.constant 0 : i32
      %dma_wait3A_213 = arith.constant 0 : i32
      %dma_wait3A_214 = tpu.memref_slice %arg4[%add3A_191, %dma_wait3A_212, %dma_wait3A_213] : memref<4096x128x64xi32, #tpu.memory_space<hbm>> -> memref<1x128x64xi32, #tpu.memory_space<hbm>>
      %dma_wait3A_215 = tpu.memref_squeeze %dma_wait3A_214 : memref<1x128x64xi32, #tpu.memory_space<hbm>> -> memref<128x64xi32, #tpu.memory_space<hbm>>
      tpu.wait_dma2 semaphore(%arg15 : memref<!tpu.dma_semaphore, #tpu.memory_space<semaphore_mem>>) src(%dma_wait3A_215 : memref<128x64xi32, #tpu.memory_space<hbm>>) dst(%arg11 : memref<128x64xi32, #tpu.memory_space<vmem>>)
      %parallel_loop3A_216 = arith.constant 0 : i32
      %parallel_loop3A_217 = arith.constant 128 : i32
      %parallel_loop3A_218 = arith.constant 1 : i32
      scf.for %parallel_loop3A_219 = %parallel_loop3A_216 to %parallel_loop3A_217 step %parallel_loop3A_218  : i32 {
        %parallel_loop3A_220 = arith.index_cast %parallel_loop3A_219 : i32 to index
        %parallel_loop3A_221 = arith.constant 0 : index
        %parallel_loop3A_222 = tpu.vector_load %arg7[%parallel_loop3A_220, %parallel_loop3A_221] {strides = array<i32>} : memref<128x64xf32, #tpu.memory_space<vmem>>, vector<16xf32>,
        %parallel_loop3A_223 = arith.index_cast %parallel_loop3A_219 : i32 to index
        %parallel_loop3A_224 = arith.constant 0 : index
        %parallel_loop3A_225 = tpu.vector_load %arg9[%parallel_loop3A_223, %parallel_loop3A_224] {strides = array<i32>} : memref<128x64xf32, #tpu.memory_space<vmem>>, vector<16xf32>,
        %parallel_loop3A_226 = arith.subf %parallel_loop3A_222, %parallel_loop3A_225 : vector<16xf32>
        %parallel_loop3A_227 = arith.index_cast %parallel_loop3A_219 : i32 to index
        %parallel_loop3A_228 = arith.constant 0 : index
        %parallel_loop3A_229 = tpu.vector_load %arg11[%parallel_loop3A_227, %parallel_loop3A_228] {strides = array<i32>} : memref<128x64xi32, #tpu.memory_space<vmem>>, vector<16xi32>,
        %parallel_loop3A_230 = tpu.vector_load_idx %arg7[%parallel_loop3A_229, %add3A_5] : memref<128x64xf32, #tpu.memory_space<vmem>>[vector<16xi32>, vector<16xi32>], vector<16xf32>,
        %parallel_loop3A_231 = tpu.vector_load_idx %arg9[%parallel_loop3A_229, %add3A_5] : memref<128x64xf32, #tpu.memory_space<vmem>>[vector<16xi32>, vector<16xi32>], vector<16xf32>,
        %parallel_loop3A_232 = arith.subf %parallel_loop3A_230, %parallel_loop3A_231 : vector<16xf32>
        %parallel_loop3A_233 = math.absf %parallel_loop3A_226 : vector<16xf32>
        %parallel_loop3A_234 = arith.mulf %parallel_loop3A_226, %parallel_loop3A_233 : vector<16xf32>
        %parallel_loop3A_235 = vector.bitcast %parallel_loop3A_234 : vector<16xf32> to vector<16xi32>
        %parallel_loop3A_236 = vector.bitcast %parallel_loop3A_232 : vector<16xf32> to vector<16xi32>
        %parallel_loop3A_237 = arith.constant -2147483648 : i32
        %parallel_loop3A_238 = vector.broadcast %parallel_loop3A_237 : i32 to vector<16xi32>
        %parallel_loop3A_239 = arith.andi %parallel_loop3A_236, %parallel_loop3A_238 : vector<16xi32>
        %parallel_loop3A_240 = arith.xori %parallel_loop3A_235, %parallel_loop3A_239 : vector<16xi32>
        %parallel_loop3A_241 = vector.bitcast %parallel_loop3A_240 : vector<16xi32> to vector<16xf32>
        %parallel_loop3A_242 = arith.constant 0 : index
        %parallel_loop3A_243 = tpu.vector_load %arg12[%parallel_loop3A_242] {strides = array<i32>} : memref<64xf32, #tpu.memory_space<vmem>>, vector<16xf32>,
        tpu.vector_store %arg12[%parallel_loop3A_242], %parallel_loop3A_241 {add = true, strides = array<i32>} : memref<64xf32, #tpu.memory_space<vmem>>, vector<16xf32>,
        %parallel_loop3A_244 = arith.index_cast %parallel_loop3A_219 : i32 to index
        %parallel_loop3A_245 = arith.constant 16 : index
        %parallel_loop3A_246 = tpu.vector_load %arg7[%parallel_loop3A_244, %parallel_loop3A_245] {strides = array<i32>} : memref<128x64xf32, #tpu.memory_space<vmem>>, vector<16xf32>,
        %parallel_loop3A_247 = arith.index_cast %parallel_loop3A_219 : i32 to index
        %parallel_loop3A_248 = arith.constant 16 : index
        %parallel_loop3A_249 = tpu.vector_load %arg9[%parallel_loop3A_247, %parallel_loop3A_248] {strides = array<i32>} : memref<128x64xf32, #tpu.memory_space<vmem>>, vector<16xf32>,
        %parallel_loop3A_250 = arith.subf %parallel_loop3A_246, %parallel_loop3A_249 : vector<16xf32>
        %parallel_loop3A_251 = arith.index_cast %parallel_loop3A_219 : i32 to index
        %parallel_loop3A_252 = arith.constant 16 : index
        %parallel_loop3A_253 = tpu.vector_load %arg11[%parallel_loop3A_251, %parallel_loop3A_252] {strides = array<i32>} : memref<128x64xi32, #tpu.memory_space<vmem>>, vector<16xi32>,
        %parallel_loop3A_254 = tpu.vector_load_idx %arg7[%parallel_loop3A_253, %add3A_8] : memref<128x64xf32, #tpu.memory_space<vmem>>[vector<16xi32>, vector<16xi32>], vector<16xf32>,
        %parallel_loop3A_255 = tpu.vector_load_idx %arg9[%parallel_loop3A_253, %add3A_8] : memref<128x64xf32, #tpu.memory_space<vmem>>[vector<16xi32>, vector<16xi32>], vector<16xf32>,
        %parallel_loop3A_256 = arith.subf %parallel_loop3A_254, %parallel_loop3A_255 : vector<16xf32>
        %parallel_loop3A_257 = math.absf %parallel_loop3A_250 : vector<16xf32>
        %parallel_loop3A_258 = arith.mulf %parallel_loop3A_250, %parallel_loop3A_257 : vector<16xf32>
        %parallel_loop3A_259 = vector.bitcast %parallel_loop3A_258 : vector<16xf32> to vector<16xi32>
        %parallel_loop3A_260 = vector.bitcast %parallel_loop3A_256 : vector<16xf32> to vector<16xi32>
        %parallel_loop3A_261 = arith.constant -2147483648 : i32
        %parallel_loop3A_262 = vector.broadcast %parallel_loop3A_261 : i32 to vector<16xi32>
        %parallel_loop3A_263 = arith.andi %parallel_loop3A_260, %parallel_loop3A_262 : vector<16xi32>
        %parallel_loop3A_264 = arith.xori %parallel_loop3A_259, %parallel_loop3A_263 : vector<16xi32>
        %parallel_loop3A_265 = vector.bitcast %parallel_loop3A_264 : vector<16xi32> to vector<16xf32>
        %parallel_loop3A_266 = arith.constant 16 : index
        %parallel_loop3A_267 = tpu.vector_load %arg12[%parallel_loop3A_266] {strides = array<i32>} : memref<64xf32, #tpu.memory_space<vmem>>, vector<16xf32>,
        tpu.vector_store %arg12[%parallel_loop3A_266], %parallel_loop3A_265 {add = true, strides = array<i32>} : memref<64xf32, #tpu.memory_space<vmem>>, vector<16xf32>,
        %parallel_loop3A_268 = arith.index_cast %parallel_loop3A_219 : i32 to index
        %parallel_loop3A_269 = arith.constant 32 : index
        %parallel_loop3A_270 = tpu.vector_load %arg7[%parallel_loop3A_268, %parallel_loop3A_269] {strides = array<i32>} : memref<128x64xf32, #tpu.memory_space<vmem>>, vector<16xf32>,
        %parallel_loop3A_271 = arith.index_cast %parallel_loop3A_219 : i32 to index
        %parallel_loop3A_272 = arith.constant 32 : index
        %parallel_loop3A_273 = tpu.vector_load %arg9[%parallel_loop3A_271, %parallel_loop3A_272] {strides = array<i32>} : memref<128x64xf32, #tpu.memory_space<vmem>>, vector<16xf32>,
        %parallel_loop3A_274 = arith.subf %parallel_loop3A_270, %parallel_loop3A_273 : vector<16xf32>
        %parallel_loop3A_275 = arith.index_cast %parallel_loop3A_219 : i32 to index
        %parallel_loop3A_276 = arith.constant 32 : index
        %parallel_loop3A_277 = tpu.vector_load %arg11[%parallel_loop3A_275, %parallel_loop3A_276] {strides = array<i32>} : memref<128x64xi32, #tpu.memory_space<vmem>>, vector<16xi32>,
        %parallel_loop3A_278 = tpu.vector_load_idx %arg7[%parallel_loop3A_277, %add3A_11] : memref<128x64xf32, #tpu.memory_space<vmem>>[vector<16xi32>, vector<16xi32>], vector<16xf32>,
        %parallel_loop3A_279 = tpu.vector_load_idx %arg9[%parallel_loop3A_277, %add3A_11] : memref<128x64xf32, #tpu.memory_space<vmem>>[vector<16xi32>, vector<16xi32>], vector<16xf32>,
        %parallel_loop3A_280 = arith.subf %parallel_loop3A_278, %parallel_loop3A_279 : vector<16xf32>
        %parallel_loop3A_281 = math.absf %parallel_loop3A_274 : vector<16xf32>
        %parallel_loop3A_282 = arith.mulf %parallel_loop3A_274, %parallel_loop3A_281 : vector<16xf32>
        %parallel_loop3A_283 = vector.bitcast %parallel_loop3A_282 : vector<16xf32> to vector<16xi32>
        %parallel_loop3A_284 = vector.bitcast %parallel_loop3A_280 : vector<16xf32> to vector<16xi32>
        %parallel_loop3A_285 = arith.constant -2147483648 : i32
        %parallel_loop3A_286 = vector.broadcast %parallel_loop3A_285 : i32 to vector<16xi32>
        %parallel_loop3A_287 = arith.andi %parallel_loop3A_284, %parallel_loop3A_286 : vector<16xi32>
        %parallel_loop3A_288 = arith.xori %parallel_loop3A_283, %parallel_loop3A_287 : vector<16xi32>
        %parallel_loop3A_289 = vector.bitcast %parallel_loop3A_288 : vector<16xi32> to vector<16xf32>
        %parallel_loop3A_290 = arith.constant 32 : index
        %parallel_loop3A_291 = tpu.vector_load %arg12[%parallel_loop3A_290] {strides = array<i32>} : memref<64xf32, #tpu.memory_space<vmem>>, vector<16xf32>,
        tpu.vector_store %arg12[%parallel_loop3A_290], %parallel_loop3A_289 {add = true, strides = array<i32>} : memref<64xf32, #tpu.memory_space<vmem>>, vector<16xf32>,
        %parallel_loop3A_292 = arith.index_cast %parallel_loop3A_219 : i32 to index
        %parallel_loop3A_293 = arith.constant 48 : index
        %parallel_loop3A_294 = tpu.vector_load %arg7[%parallel_loop3A_292, %parallel_loop3A_293] {strides = array<i32>} : memref<128x64xf32, #tpu.memory_space<vmem>>, vector<16xf32>,
        %parallel_loop3A_295 = arith.index_cast %parallel_loop3A_219 : i32 to index
        %parallel_loop3A_296 = arith.constant 48 : index
        %parallel_loop3A_297 = tpu.vector_load %arg9[%parallel_loop3A_295, %parallel_loop3A_296] {strides = array<i32>} : memref<128x64xf32, #tpu.memory_space<vmem>>, vector<16xf32>,
        %parallel_loop3A_298 = arith.subf %parallel_loop3A_294, %parallel_loop3A_297 : vector<16xf32>
        %parallel_loop3A_299 = arith.index_cast %parallel_loop3A_219 : i32 to index
        %parallel_loop3A_300 = arith.constant 48 : index
        %parallel_loop3A_301 = tpu.vector_load %arg11[%parallel_loop3A_299, %parallel_loop3A_300] {strides = array<i32>} : memref<128x64xi32, #tpu.memory_space<vmem>>, vector<16xi32>,
        %parallel_loop3A_302 = tpu.vector_load_idx %arg7[%parallel_loop3A_301, %add3A_14] : memref<128x64xf32, #tpu.memory_space<vmem>>[vector<16xi32>, vector<16xi32>], vector<16xf32>,
        %parallel_loop3A_303 = tpu.vector_load_idx %arg9[%parallel_loop3A_301, %add3A_14] : memref<128x64xf32, #tpu.memory_space<vmem>>[vector<16xi32>, vector<16xi32>], vector<16xf32>,
        %parallel_loop3A_304 = arith.subf %parallel_loop3A_302, %parallel_loop3A_303 : vector<16xf32>
        %parallel_loop3A_305 = math.absf %parallel_loop3A_298 : vector<16xf32>
        %parallel_loop3A_306 = arith.mulf %parallel_loop3A_298, %parallel_loop3A_305 : vector<16xf32>
        %parallel_loop3A_307 = vector.bitcast %parallel_loop3A_306 : vector<16xf32> to vector<16xi32>
        %parallel_loop3A_308 = vector.bitcast %parallel_loop3A_304 : vector<16xf32> to vector<16xi32>
        %parallel_loop3A_309 = arith.constant -2147483648 : i32
        %parallel_loop3A_310 = vector.broadcast %parallel_loop3A_309 : i32 to vector<16xi32>
        %parallel_loop3A_311 = arith.andi %parallel_loop3A_308, %parallel_loop3A_310 : vector<16xi32>
        %parallel_loop3A_312 = arith.xori %parallel_loop3A_307, %parallel_loop3A_311 : vector<16xi32>
        %parallel_loop3A_313 = vector.bitcast %parallel_loop3A_312 : vector<16xi32> to vector<16xf32>
        %parallel_loop3A_314 = arith.constant 48 : index
        %parallel_loop3A_315 = tpu.vector_load %arg12[%parallel_loop3A_314] {strides = array<i32>} : memref<64xf32, #tpu.memory_space<vmem>>, vector<16xf32>,
        tpu.vector_store %arg12[%parallel_loop3A_314], %parallel_loop3A_313 {add = true, strides = array<i32>} : memref<64xf32, #tpu.memory_space<vmem>>, vector<16xf32>,
      } {sc.loop_unroll_factor = 1 : i64, sc.parallel_access}
    }
    %scan3A_58 = arith.constant 32 : i32
    %add3A_59 = arith.constant 0 : i32
    %add3A_60 = arith.addi %mul3A_2, %add3A_59 : i32
    %dma_wait3A = arith.constant 0 : i32
    %dma_wait3A_61 = arith.constant 0 : i32
    %dma_wait3A_62 = tpu.memref_slice %arg2[%add3A_60, %dma_wait3A, %dma_wait3A_61] : memref<4096x128x64xf32, #tpu.memory_space<hbm>> -> memref<1x128x64xf32, #tpu.memory_space<hbm>>
    %dma_wait3A_63 = tpu.memref_squeeze %dma_wait3A_62 : memref<1x128x64xf32, #tpu.memory_space<hbm>> -> memref<128x64xf32, #tpu.memory_space<hbm>>
    %dma_wait3A_64 = arith.constant 0 : i32
    %dma_wait3A_65 = arith.constant 0 : i32
    %dma_wait3A_66 = tpu.memref_slice %arg2[%add3A_60, %dma_wait3A_64, %dma_wait3A_65] : memref<4096x128x64xf32, #tpu.memory_space<hbm>> -> memref<1x128x64xf32, #tpu.memory_space<hbm>>
    %dma_wait3A_67 = tpu.memref_squeeze %dma_wait3A_66 : memref<1x128x64xf32, #tpu.memory_space<hbm>> -> memref<128x64xf32, #tpu.memory_space<hbm>>
    tpu.wait_dma2 semaphore(%arg14 : memref<!tpu.dma_semaphore, #tpu.memory_space<semaphore_mem>>) src(%dma_wait3A_67 : memref<128x64xf32, #tpu.memory_space<hbm>>) dst(%arg6 : memref<128x64xf32, #tpu.memory_space<vmem>>)
    %dma_wait3A_68 = arith.constant 0 : i32
    %dma_wait3A_69 = arith.constant 0 : i32
    %dma_wait3A_70 = tpu.memref_slice %arg3[%add3A_60, %dma_wait3A_68, %dma_wait3A_69] : memref<4096x128x64xf32, #tpu.memory_space<hbm>> -> memref<1x128x64xf32, #tpu.memory_space<hbm>>
    %dma_wait3A_71 = tpu.memref_squeeze %dma_wait3A_70 : memref<1x128x64xf32, #tpu.memory_space<hbm>> -> memref<128x64xf32, #tpu.memory_space<hbm>>
    %dma_wait3A_72 = arith.constant 0 : i32
    %dma_wait3A_73 = arith.constant 0 : i32
    %dma_wait3A_74 = tpu.memref_slice %arg3[%add3A_60, %dma_wait3A_72, %dma_wait3A_73] : memref<4096x128x64xf32, #tpu.memory_space<hbm>> -> memref<1x128x64xf32, #tpu.memory_space<hbm>>
    %dma_wait3A_75 = tpu.memref_squeeze %dma_wait3A_74 : memref<1x128x64xf32, #tpu.memory_space<hbm>> -> memref<128x64xf32, #tpu.memory_space<hbm>>
    tpu.wait_dma2 semaphore(%arg14 : memref<!tpu.dma_semaphore, #tpu.memory_space<semaphore_mem>>) src(%dma_wait3A_75 : memref<128x64xf32, #tpu.memory_space<hbm>>) dst(%arg8 : memref<128x64xf32, #tpu.memory_space<vmem>>)
    %dma_wait3A_76 = arith.constant 0 : i32
    %dma_wait3A_77 = arith.constant 0 : i32
    %dma_wait3A_78 = tpu.memref_slice %arg4[%add3A_60, %dma_wait3A_76, %dma_wait3A_77] : memref<4096x128x64xi32, #tpu.memory_space<hbm>> -> memref<1x128x64xi32, #tpu.memory_space<hbm>>
    %dma_wait3A_79 = tpu.memref_squeeze %dma_wait3A_78 : memref<1x128x64xi32, #tpu.memory_space<hbm>> -> memref<128x64xi32, #tpu.memory_space<hbm>>
    %dma_wait3A_80 = arith.constant 0 : i32
    %dma_wait3A_81 = arith.constant 0 : i32
    %dma_wait3A_82 = tpu.memref_slice %arg4[%add3A_60, %dma_wait3A_80, %dma_wait3A_81] : memref<4096x128x64xi32, #tpu.memory_space<hbm>> -> memref<1x128x64xi32, #tpu.memory_space<hbm>>
    %dma_wait3A_83 = tpu.memref_squeeze %dma_wait3A_82 : memref<1x128x64xi32, #tpu.memory_space<hbm>> -> memref<128x64xi32, #tpu.memory_space<hbm>>
    tpu.wait_dma2 semaphore(%arg14 : memref<!tpu.dma_semaphore, #tpu.memory_space<semaphore_mem>>) src(%dma_wait3A_83 : memref<128x64xi32, #tpu.memory_space<hbm>>) dst(%arg10 : memref<128x64xi32, #tpu.memory_space<vmem>>)
    %get3A = arith.constant 0 : index
    %get3A_84 = tpu.vector_load %arg12[%get3A] {strides = array<i32>} : memref<64xf32, #tpu.memory_space<vmem>>, vector<16xf32>,
    %get3A_85 = arith.constant 16 : index
    %get3A_86 = tpu.vector_load %arg12[%get3A_85] {strides = array<i32>} : memref<64xf32, #tpu.memory_space<vmem>>, vector<16xf32>,
    %add3A_87 = arith.addf %get3A_84, %get3A_86 : vector<16xf32>
    %get3A_88 = arith.constant 32 : index
    %get3A_89 = tpu.vector_load %arg12[%get3A_88] {strides = array<i32>} : memref<64xf32, #tpu.memory_space<vmem>>, vector<16xf32>,
    %add3A_90 = arith.addf %add3A_87, %get3A_89 : vector<16xf32>
    %get3A_91 = arith.constant 48 : index
    %get3A_92 = tpu.vector_load %arg12[%get3A_91] {strides = array<i32>} : memref<64xf32, #tpu.memory_space<vmem>>, vector<16xf32>,
    %add3A_93 = arith.addf %add3A_90, %get3A_92 : vector<16xf32>
    %swap3A_94 = arith.constant 0 : index
    %swap3A_95 = tpu.vector_load %arg13[%swap3A_94] {strides = array<i32>} : memref<16xf32, #tpu.memory_space<vmem>>, vector<16xf32>,
    tpu.vector_store %arg13[%swap3A_94], %add3A_93 {strides = array<i32>} : memref<16xf32, #tpu.memory_space<vmem>>, vector<16xf32>,
    "tpu.region"() ({
      %run_scoped3A = tpu.sem_alloc : memref<!tpu.dma_semaphore, #tpu.memory_space<semaphore_mem>>
      %dma_start3A_96 = arith.constant 0 : i32
      %dma_start3A_97 = tpu.memref_slice %arg5[%add3A, %dma_start3A_96] : memref<32x16xf32, #tpu.memory_space<hbm>> -> memref<1x16xf32, #tpu.memory_space<hbm>>
      %dma_start3A_98 = tpu.memref_squeeze %dma_start3A_97 : memref<1x16xf32, #tpu.memory_space<hbm>> -> memref<16xf32, #tpu.memory_space<hbm>>
      %dma_start3A_99 = arith.constant 0 : i32
      %dma_start3A_100 = tpu.memref_slice %arg5[%add3A, %dma_start3A_99] : memref<32x16xf32, #tpu.memory_space<hbm>> -> memref<1x16xf32, #tpu.memory_space<hbm>>
      %dma_start3A_101 = tpu.memref_squeeze %dma_start3A_100 : memref<1x16xf32, #tpu.memory_space<hbm>> -> memref<16xf32, #tpu.memory_space<hbm>>
      tpu.enqueue_dma source(%arg13 : memref<16xf32, #tpu.memory_space<vmem>>) target(%dma_start3A_101 : memref<16xf32, #tpu.memory_space<hbm>>) target_semaphore(%run_scoped3A : memref<!tpu.dma_semaphore, #tpu.memory_space<semaphore_mem>>)
      %dma_wait3A_102 = arith.constant 0 : i32
      %dma_wait3A_103 = tpu.memref_slice %arg5[%add3A, %dma_wait3A_102] : memref<32x16xf32, #tpu.memory_space<hbm>> -> memref<1x16xf32, #tpu.memory_space<hbm>>
      %dma_wait3A_104 = tpu.memref_squeeze %dma_wait3A_103 : memref<1x16xf32, #tpu.memory_space<hbm>> -> memref<16xf32, #tpu.memory_space<hbm>>
      %dma_wait3A_105 = arith.constant 0 : i32
      %dma_wait3A_106 = tpu.memref_slice %arg5[%add3A, %dma_wait3A_105] : memref<32x16xf32, #tpu.memory_space<hbm>> -> memref<1x16xf32, #tpu.memory_space<hbm>>
      %dma_wait3A_107 = tpu.memref_squeeze %dma_wait3A_106 : memref<1x16xf32, #tpu.memory_space<hbm>> -> memref<16xf32, #tpu.memory_space<hbm>>
      tpu.wait_dma2 semaphore(%run_scoped3A : memref<!tpu.dma_semaphore, #tpu.memory_space<semaphore_mem>>) src(%arg13 : memref<16xf32, #tpu.memory_space<vmem>>) dst(%dma_wait3A_107 : memref<16xf32, #tpu.memory_space<hbm>>)
      tpu.yield
    }) : () -> ()
    return
  }
}

module attributes {stable_mosaic.version = 14 : i64} {
  func.func @body(%arg0: i32, %arg1: memref<8x128x64xf32, #tpu.memory_space<vmem>>, %arg2: memref<8x128x64xf32, #tpu.memory_space<vmem>>, %arg3: memref<8x128x64xi32, #tpu.memory_space<vmem>>, %arg4: memref<128x64xf32, #tpu.memory_space<vmem>>) attributes {dimension_semantics = [#tpu.dimension_semantics<arbitrary>], iteration_bounds = array<i64: 256>, scalar_prefetch = 0 : i64, scratch_operands = 0 : i64, tpu.core_type = #tpu.core_type<tc>, window_params = [{transform_indices = @transform_0, window_bounds = array<i64: 8, 128, 64>}, {transform_indices = @transform_1, window_bounds = array<i64: 8, 128, 64>}, {transform_indices = @transform_2, window_bounds = array<i64: 8, 128, 64>}, {pipeline_mode = #tpu.pipeline_mode<synchronous>, transform_indices = @transform_3, window_bounds = array<i64: 128, 64>}]} {
    %get3A = arith.constant 0 : index
    %get3A_0 = arith.constant 0 : index
    %get3A_1 = arith.constant 0 : index
    %get3A_2 = vector.load %arg1[%get3A, %get3A_0, %get3A_1] : memref<8x128x64xf32, #tpu.memory_space<vmem>>, vector<8x128x64xf32>
    %get3A_3 = arith.constant 0 : index
    %get3A_4 = arith.constant 0 : index
    %get3A_5 = arith.constant 0 : index
    %get3A_6 = vector.load %arg2[%get3A_3, %get3A_4, %get3A_5] : memref<8x128x64xf32, #tpu.memory_space<vmem>>, vector<8x128x64xf32>
    %sub3A = arith.subf %get3A_2, %get3A_6 : vector<8x128x64xf32>
    %abs3A = math.absf %sub3A : vector<8x128x64xf32>
    %mul3A = arith.mulf %sub3A, %abs3A : vector<8x128x64xf32>
    %get3A_7 = arith.constant 0 : index
    %get3A_8 = arith.constant 0 : index
    %get3A_9 = arith.constant 0 : index
    %get3A_10 = vector.load %arg3[%get3A_7, %get3A_8, %get3A_9] : memref<8x128x64xi32, #tpu.memory_space<vmem>>, vector<8x128x64xi32>
    %lt3A = arith.constant 0.000000e+00 : f32
    %lt3A_11 = vector.broadcast %lt3A : f32 to vector<8x128x64xf32>
    %lt3A_12 = arith.cmpf olt, %sub3A, %lt3A_11 : vector<8x128x64xf32>
    %convert_element_type3A = arith.extui %lt3A_12 : vector<8x128x64xi1> to vector<8x128x64xi32>
    %reshape3A = vector.shape_cast %convert_element_type3A : vector<8x128x64xi32> to vector<8x4x32x64xi32>
    %iota3A = tpu.iota {dimensions = array<i32: 2>} : vector<8x4x32x64xi32>
    %shift_left3A = arith.shli %reshape3A, %iota3A : vector<8x4x32x64xi32>
    %reduce_sum3A = arith.constant dense<0> : vector<8x4x64xi32>
    %reduce_sum3A_13 = vector.multi_reduction <add>, %shift_left3A, %reduce_sum3A [2] : vector<8x4x32x64xi32> to vector<8x4x64xi32>
    %shift_right_arithmetic3A = arith.constant 5 : i32
    %shift_right_arithmetic3A_14 = vector.broadcast %shift_right_arithmetic3A : i32 to vector<8x128x64xi32>
    %shift_right_arithmetic3A_15 = arith.shrsi %get3A_10, %shift_right_arithmetic3A_14 : vector<8x128x64xi32>
    %lt3A_16 = arith.constant 2 : i32
    %lt3A_17 = vector.broadcast %lt3A_16 : i32 to vector<8x128x64xi32>
    %lt3A_18 = arith.cmpi slt, %shift_right_arithmetic3A_15, %lt3A_17 : vector<8x128x64xi32>
    %eq3A = arith.constant 0 : i32
    %eq3A_19 = vector.broadcast %eq3A : i32 to vector<8x128x64xi32>
    %eq3A_20 = arith.cmpi eq, %shift_right_arithmetic3A_15, %eq3A_19 : vector<8x128x64xi32>
    %slice3A = vector.extract_strided_slice %reduce_sum3A_13 {offsets = [0, 0, 0], sizes = [8, 1, 64], strides = [1, 1, 1]} : vector<8x4x64xi32> to vector<8x1x64xi32>
    %slice3A_21 = vector.extract_strided_slice %reduce_sum3A_13 {offsets = [0, 1, 0], sizes = [8, 1, 64], strides = [1, 1, 1]} : vector<8x4x64xi32> to vector<8x1x64xi32>
    %broadcast_in_dim3A = vector.shape_cast %slice3A : vector<8x1x64xi32> to vector<8x1x64xi32>
    %broadcast_in_dim3A_22 = vector.broadcast %broadcast_in_dim3A : vector<8x1x64xi32> to vector<8x128x64xi32>
    %broadcast_in_dim3A_23 = vector.shape_cast %slice3A_21 : vector<8x1x64xi32> to vector<8x1x64xi32>
    %broadcast_in_dim3A_24 = vector.broadcast %broadcast_in_dim3A_23 : vector<8x1x64xi32> to vector<8x128x64xi32>
    %select_n3A = arith.select %eq3A_20, %broadcast_in_dim3A_22, %broadcast_in_dim3A_24 : vector<8x128x64xi1>, vector<8x128x64xi32>
    %eq3A_25 = arith.constant 2 : i32
    %eq3A_26 = vector.broadcast %eq3A_25 : i32 to vector<8x128x64xi32>
    %eq3A_27 = arith.cmpi eq, %shift_right_arithmetic3A_15, %eq3A_26 : vector<8x128x64xi32>
    %slice3A_28 = vector.extract_strided_slice %reduce_sum3A_13 {offsets = [0, 2, 0], sizes = [8, 1, 64], strides = [1, 1, 1]} : vector<8x4x64xi32> to vector<8x1x64xi32>
    %slice3A_29 = vector.extract_strided_slice %reduce_sum3A_13 {offsets = [0, 3, 0], sizes = [8, 1, 64], strides = [1, 1, 1]} : vector<8x4x64xi32> to vector<8x1x64xi32>
    %broadcast_in_dim3A_30 = vector.shape_cast %slice3A_28 : vector<8x1x64xi32> to vector<8x1x64xi32>
    %broadcast_in_dim3A_31 = vector.broadcast %broadcast_in_dim3A_30 : vector<8x1x64xi32> to vector<8x128x64xi32>
    %broadcast_in_dim3A_32 = vector.shape_cast %slice3A_29 : vector<8x1x64xi32> to vector<8x1x64xi32>
    %broadcast_in_dim3A_33 = vector.broadcast %broadcast_in_dim3A_32 : vector<8x1x64xi32> to vector<8x128x64xi32>
    %select_n3A_34 = arith.select %eq3A_27, %broadcast_in_dim3A_31, %broadcast_in_dim3A_33 : vector<8x128x64xi1>, vector<8x128x64xi32>
    %select_n3A_35 = arith.select %lt3A_18, %select_n3A, %select_n3A_34 : vector<8x128x64xi1>, vector<8x128x64xi32>
    %and3A = arith.constant 31 : i32
    %and3A_36 = vector.broadcast %and3A : i32 to vector<8x128x64xi32>
    %and3A_37 = arith.andi %get3A_10, %and3A_36 : vector<8x128x64xi32>
    %shift_right_arithmetic3A_38 = arith.shrsi %select_n3A_35, %and3A_37 : vector<8x128x64xi32>
    %and3A_39 = arith.constant 1 : i32
    %and3A_40 = vector.broadcast %and3A_39 : i32 to vector<8x128x64xi32>
    %and3A_41 = arith.andi %shift_right_arithmetic3A_38, %and3A_40 : vector<8x128x64xi32>
    %bitcast_convert_type3A = tpu.bitcast %mul3A : vector<8x128x64xf32> -> vector<8x128x64xi32>
    %shift_left3A_42 = arith.constant 31 : i32
    %shift_left3A_43 = vector.broadcast %shift_left3A_42 : i32 to vector<8x128x64xi32>
    %shift_left3A_44 = arith.shli %and3A_41, %shift_left3A_43 : vector<8x128x64xi32>
    %xor3A = arith.xori %bitcast_convert_type3A, %shift_left3A_44 : vector<8x128x64xi32>
    %bitcast_convert_type3A_45 = tpu.bitcast %xor3A : vector<8x128x64xi32> -> vector<8x128x64xf32>
    %reduce_sum3A_46 = arith.constant dense<0.000000e+00> : vector<128x64xf32>
    %reduce_sum3A_47 = vector.multi_reduction <add>, %bitcast_convert_type3A_45, %reduce_sum3A_46 [0] : vector<8x128x64xf32> to vector<128x64xf32>
    %eq3A_48 = arith.constant 0 : i32
    %eq3A_49 = arith.cmpi eq, %arg0, %eq3A_48 : i32
    %convert_element_type3A_50 = arith.extui %eq3A_49 : i1 to i32
    %cond3A = arith.constant 0 : i32
    %cond3A_51 = arith.cmpi ne, %convert_element_type3A_50, %cond3A : i32
    scf.if %cond3A_51 {
      %broadcast_in_dim3A_57 = arith.constant 0.000000e+00 : f32
      %broadcast_in_dim3A_58 = vector.broadcast %broadcast_in_dim3A_57 : f32 to vector<128x64xf32>
      %swap3A_59 = arith.constant 0 : index
      %swap3A_60 = arith.constant 0 : index
      %swap3A_61 = vector.load %arg4[%swap3A_59, %swap3A_60] : memref<128x64xf32, #tpu.memory_space<vmem>>, vector<128x64xf32>
      tpu.vector_store %arg4[%swap3A_59, %swap3A_60], %broadcast_in_dim3A_58 {strides = array<i32>} : memref<128x64xf32, #tpu.memory_space<vmem>>, vector<128x64xf32>,
    } else {
    }
    %get3A_52 = arith.constant 0 : index
    %get3A_53 = arith.constant 0 : index
    %get3A_54 = vector.load %arg4[%get3A_52, %get3A_53] : memref<128x64xf32, #tpu.memory_space<vmem>>, vector<128x64xf32>
    %add3A = arith.addf %get3A_54, %reduce_sum3A_47 : vector<128x64xf32>
    %swap3A = arith.constant 0 : index
    %swap3A_55 = arith.constant 0 : index
    %swap3A_56 = vector.load %arg4[%swap3A, %swap3A_55] : memref<128x64xf32, #tpu.memory_space<vmem>>, vector<128x64xf32>
    tpu.vector_store %arg4[%swap3A, %swap3A_55], %add3A {strides = array<i32>} : memref<128x64xf32, #tpu.memory_space<vmem>>, vector<128x64xf32>,
    return
  }
  func.func @transform_0(%arg0: i32) -> (i32, i32, i32) {
    %add3A = arith.constant 256 : i32
    %add3A_0 = arith.addi %add3A, %arg0 : i32
    %c0_i32 = arith.constant 0 : i32
    %c0_i32_1 = arith.constant 0 : i32
    %c0_i32_2 = arith.constant 0 : i32
    return %add3A_0, %c0_i32, %c0_i32_1 : i32, i32, i32
  }
  func.func @transform_1(%arg0: i32) -> (i32, i32, i32) {
    %add3A = arith.constant 256 : i32
    %add3A_0 = arith.addi %add3A, %arg0 : i32
    %c0_i32 = arith.constant 0 : i32
    %c0_i32_1 = arith.constant 0 : i32
    %c0_i32_2 = arith.constant 0 : i32
    return %add3A_0, %c0_i32, %c0_i32_1 : i32, i32, i32
  }
  func.func @transform_2(%arg0: i32) -> (i32, i32, i32) {
    %add3A = arith.constant 256 : i32
    %add3A_0 = arith.addi %add3A, %arg0 : i32
    %c0_i32 = arith.constant 0 : i32
    %c0_i32_1 = arith.constant 0 : i32
    %c0_i32_2 = arith.constant 0 : i32
    return %add3A_0, %c0_i32, %c0_i32_1 : i32, i32, i32
  }
  func.func @transform_3(%arg0: i32) -> (i32, i32) {
    %c0_i32 = arith.constant 0 : i32
    %c0_i32_0 = arith.constant 0 : i32
    %c0_i32_1 = arith.constant 0 : i32
    return %c0_i32, %c0_i32_0 : i32, i32
  }
}

</mosaic_0001>

<sc_bundles>
// kernel: kernel.4.cloned.1.call-start
scs
__scs_entry_jumppad:
0x0: {  	(pc) =	sbr.rel $0x88, $3  }
0x1: {  	(tag) =	ssettag $0x0;
	lr =	simm.s32 $0x1  }
0x2: {  	[smem:$0x3F9E] =	sst lr;
	_ =	strace $0xD0000000  }
0x3: {  	_ = 	snop  }
0x4: {  	_ = 	snop  }
0x5: {  	_ = 	snop  }
0x6: {  	_ = 	snop  }
0x7: {  	_ = 	snop  }
__scs_overlays_trampoline_lowered:
0x8: {  	[smem:$0x3FAD] =	sst s0  }
0x9: {  	[smem:$0x3FAE] =	sst s1  }
0xa: {  	[smem:$0x3FAF] =	sst s2  }
0xb: {  	[smem:$0x3FB0] =	sst s3  }
0xc: {  	[smem:$0x3FB1] =	sst s4  }
0xd: {  	[smem:$0x3FB2] =	sst s5  }
0xe: {  	[smem:$0x3FB3] =	sst s6  }
0xf: {  	[smem:$0x3FB4] =	sst s7  }
0x10: {  	[smem:$0x3FB5] =	sst s8  }
0x11: {  	[smem:$0x3FB6] =	sst s9;
	s0 =	simm.s32 @!p0 $0x0  }
0x12: {  	s1 =	sld [smem:$0x3F9C];
	s0 =	simm.s32 @p0 $0x1  }
0x13: {  	[smem:$0x3FB7] =	sst s0;
	s0 =	simm.s32 @!p1 $0x0  }
0x14: {  	s2 =	sld [smem:$0x3F9B];
	s0 =	simm.s32 @p1 $0x1  }
0x15: {  	[smem:$0x3FB8] =	sst s0;
	s0 =	simm.s32 @!p2 $0x0  }
0x16: {  	s3 =	sld [smem:$0x3FDB];
	s0 =	simm.s32 @p2 $0x1  }
0x17: {  	s4 =	simm.s32 $0x1BF5;
	[smem:$0x3FBA] =	sst s0  }
0x18: {  	s0 =	sld [smem:$0x3F9D];
	_ =	swait.ge [sflag:s4], $0x0  }
0x19: {  	s7 =	sld [smem:$0x3F9E]  }
0x1a: {  	s8 =	sadd.s32 $0xFFFFE003, lr  }
0x1b: {  	s9 =	sadd.s32 $0xFFFFFEF7, lr;
	s5 =	simm.s32 $0xFFFFFFFF;
	p2 =	slt.u32 s8, $0xFFFFF086  }
0x1c: {  	p1 =	slt.u32 s9, $0xF7A;
	s5 =	simm.s32 @!p2 $0x0  }
0x1d: {  	s5 =	simm.s32 @p1 $0x1;
	p0 =	seq.s32 s7, s2  }
0x1e: {  	s7 =	smul.u32 @!p0 $0xF7A, s2;
	p2 =	seq.s32 @!p0 s5, $0x0  }
0x1f: {  	s9 =	smul.u32 $0xF7A, s1;
	s8 =	simm.s32 @!p0 $0x1BF5;
	p2 =	por !p2, p0  }
0x20: {  	[sflag:s8] =	ssyncset.s32 @!p0 $0xFFFFF086;
	s6 =	sadd.s32 @!p0 s3, s7;
	s7 =	simm.s32 @!p0 $0x108  }
0x21: {  	s3 =	sadd.s32 s3, s9;
	s6 =	sadd.s32 @!p0 $0x88, s6;
	s7 =	simm.s32 @p2 $0x1082  }
0x22: {  	[simem:s7], [sflag:s8] =	dma.local @!p0 [hbm:s6], $0xF7A  }
0x23: {  	s9 =	sor.u32 $0xD0000000, s2;
	s6 =	simm.s32 $0x108;
	_ =	swait.ge @!p0 [sflag:s8], $0x0  }
0x24: {  	s3 =	sadd.s32 $0x88, s3;
	s6 =	simm.s32 @!p1 $0x1082;
	[sflag:s4] =	ssyncset.s32 $0xFFFFF086  }
0x25: {  	[simem:s6], [sflag:s4] =	dma.local [hbm:s3], $0xF7A  }
0x26: {  	[smem:$0x3F9E] =	sst s1;
	(tag) =	ssettag s2;
	_ =	strace s9  }
0x27: {  	s1 =	sld [smem:$0x3FAE]  }
0x28: {  	s2 =	sld [smem:$0x3FAF]  }
0x29: {  	s4 =	sld [smem:$0x3FB1]  }
0x2a: {  	p0 =	seq.s32 s5, $0x0;
	s5 =	sld [smem:$0x3FB2]  }
0x2b: {  	s6 =	sld [smem:$0x3FB3]  }
0x2c: {  	s7 =	sld [smem:$0x3FB4]  }
0x2d: {  	s3 =	simm.s32 $0x108;
	s8 =	sld [smem:$0x3FB5]  }
0x2e: {  	s3 =	simm.s32 @!p0 $0x1082;
	s9 =	sld [smem:$0x3FB6]  }
0x2f: {  	lr =	sadd.s32 s0, s3;
	s0 =	sld [smem:$0x3FAD]  }
0x30: {  	s3 =	sld [smem:$0x3FB0]  }
0x31: {  	[smem:$0x3FB9] =	sst s10  }
0x32: {  	s10 =	sld [smem:$0x3FB7];
	_ =	sdelay $0x3  }
0x33: {  	p0 =	seq.s32 s10, $0x1;
	s10 =	sld [smem:$0x3FB9];
	_ =	sdelay $0x3  }
0x34: {  	[smem:$0x3FB9] =	sst s10  }
0x35: {  	s10 =	sld [smem:$0x3FB8];
	_ =	sdelay $0x3  }
0x36: {  	p1 =	seq.s32 s10, $0x1;
	s10 =	sld [smem:$0x3FB9];
	_ =	sdelay $0x3  }
0x37: {  	[smem:$0x3FB9] =	sst s10  }
0x38: {  	s10 =	sld [smem:$0x3FBA]  }
0x39: {  	_ = 	snop;
	(pc) =	sbr.ind lr, $3  }
0x3a: {  	_ = 	snop  }
0x3b: {  	_ = 	snop  }
0x3c: {  	p2 =	seq.s32 s10, $0x1;
	s10 =	sld [smem:$0x3FB9]  }
0x3d: {  	_ =	shalt  }
0x3e: {  	_ =	shalt  }
0x3f: {  	_ =	shalt  }
0x40: {  	_ =	shalt  }
0x41: {  	_ =	shalt  }
0x42: {  	_ =	shalt  }
0x43: {  	_ =	shalt  }
0x44: {  	_ =	shalt  }
0x45: {  	_ =	shalt  }
0x46: {  	_ =	shalt  }
0x47: {  	_ =	shalt  }
0x48: {  	_ =	shalt  }
0x49: {  	_ =	shalt  }
0x4a: {  	_ =	shalt  }
0x4b: {  	_ =	shalt  }
0x4c: {  	_ =	shalt  }
0x4d: {  	_ =	shalt  }
0x4e: {  	_ =	shalt  }
0x4f: {  	_ =	shalt  }
0x50: {  	_ =	shalt  }
0x51: {  	_ =	shalt  }
0x52: {  	_ =	shalt  }
0x53: {  	_ =	shalt  }
0x54: {  	_ =	shalt  }
0x55: {  	_ =	shalt  }
0x56: {  	_ =	shalt  }
0x57: {  	_ =	shalt  }
0x58: {  	_ =	shalt  }
0x59: {  	_ =	shalt  }
0x5a: {  	_ =	shalt  }
0x5b: {  	_ =	shalt  }
0x5c: {  	_ =	shalt  }
0x5d: {  	_ =	shalt  }
0x5e: {  	_ =	shalt  }
0x5f: {  	_ =	shalt  }
0x60: {  	_ =	shalt  }
0x61: {  	_ =	shalt  }
0x62: {  	_ =	shalt  }
0x63: {  	_ =	shalt  }
0x64: {  	_ =	shalt  }
0x65: {  	_ =	shalt  }
0x66: {  	_ =	shalt  }
0x67: {  	_ =	shalt  }
0x68: {  	_ =	shalt  }
0x69: {  	_ =	shalt  }
0x6a: {  	_ =	shalt  }
0x6b: {  	_ =	shalt  }
0x6c: {  	_ =	shalt  }
0x6d: {  	_ =	shalt  }
0x6e: {  	_ =	shalt  }
0x6f: {  	_ =	shalt  }
0x70: {  	_ =	shalt  }
0x71: {  	_ =	shalt  }
0x72: {  	_ =	shalt  }
0x73: {  	_ =	shalt  }
0x74: {  	_ =	shalt  }
0x75: {  	_ =	shalt  }
0x76: {  	_ =	shalt  }
0x77: {  	_ =	shalt  }
0x78: {  	_ =	shalt  }
0x79: {  	_ =	shalt  }
0x7a: {  	_ =	shalt  }
0x7b: {  	_ =	shalt  }
0x7c: {  	_ =	shalt  }
0x7d: {  	_ =	shalt  }
0x7e: {  	_ =	shalt  }
0x7f: {  	_ =	shalt  }
0x80: {  	_ =	shalt  }
0x81: {  	_ =	shalt  }
0x82: {  	_ =	shalt  }
0x83: {  	_ =	shalt  }
0x84: {  	_ =	shalt  }
0x85: {  	_ =	shalt  }
0x86: {  	_ =	shalt  }
0x87: {  	_ =	shalt  }
.Lfunc_end0:
.L_simem_size_0:
called_computation_lowered:
.L_overlay_start_0:
0x88: {  	s2 =	sld [smem:$0x3FD9]  }
0x89: {  	s3 =	sld [smem:$0x3FFE];
	_ =	sdelay $0x1  }
0x8a: {  	s1 =	srdreg.scid  }
0x8b: {  	s0 =	sand.u32 $0x1, s1  }
0x8c: {  	s16 =	sshll.u32 s0, $0xA;
	s2 =	sadd.s32 s3, s2  }
0x8d: {  	s2 =	sadd.s32 s2, s16  }
0x8e: {  	[smem:$0x3FC5] =	sst s2  }
0x8f: {  	_ = 	snop  }
0x90: {  	(tm) =	ssettm $0x1  }
0x91: {  	s17 =	sld [smem:$0x3FFB];
	_ =	sdelay $0x3  }
0x92: {  	_ =	strace s17  }
0x93: {  	s2 =	sld [smem:$0x3FFC];
	_ =	sdelay $0x3  }
0x94: {  	_ =	strace s2  }
0x95: {  	s2 =	sld [smem:$0x3FFD];
	_ =	sdelay $0x3  }
0x96: {  	_ =	strace s2  }
0x97: {  	_ =	strace $0x8FFFFFFF  }
0x98: {  	s18 =	sld [smem:$0x3FDB];
	_ =	sdelay $0x1  }
0x99: {  	s19 =	simm.s32 $_scs_section_size  }
0x9a: {  	s4 =	simm.s32 $_size__tile_overlayer_lowered;
	s5 =	simm.s32 $_tile_overlayer_lowered  }
0x9b: {  	s22 =	simm.s32 $0x1BFF;
	s21 =	sshll.u32 s5, $0x1;
	s2 =	sadd.s32 s19, s18  }
0x9c: {  	s6 =	simm.s32 $0x0;
	s20 =	sshll.u32 s4, $0x1;
	s4 =	sadd.s32 s21, s2  }
0x9d: {  	[timem:s6], [sflag:s22] =	dma.local [hbm:s4], s20  }
0x9e: {  	_ =	swait.ge [sflag:s22], s20  }
0x9f: {  	s3 =	ssub.s32 $0x0, s20;
	[sflag:s22] =	ssyncset.done $0x0  }
0xa0: {  	[sflag:s22] =	ssyncadd.s32 s3;
	_ =	sdelay $0x1  }
0xa1: {  	s23 =	simm.s32 $0x1B8B  }
0xa2: {  	_ =	swait.ge [sflag:s23], $0x1  }
0xa3: {  	[sflag:s23] =	ssyncset.done $0x0  }
0xa4: {  	s25 =	simm.s32 $0x1B8E;
	s24 =	sld [smem:$0x3FFE];
	[sflag:s23] =	ssyncadd.s32 $0xFFFFFFFF  }
0xa5: {  	s26 =	simm.s32 $execute0_lowered;
	[smem:$0x3FD2] =	sst s25  }
0xa6: {  	s4 =	sshll.u32 s26, $0x1;
	_ =	strace $0x80000046;
	[dreg:$0x1] =	wrdreg $0xFFFFFFFF  }
0xa7: {  	s28 =	simm.s32 $_size_execute0_lowered;
	s2 =	sadd.s32 s2, s4;
	[dreg:$0x0] =	wrdreg $0x0  }
0xa8: {  	s4 =	sshll.u32 s28, $0x1;
	[dreg:$0x2] =	wrdreg s2  }
0xa9: {  	[dreg:$0x3] =	wrdreg s4  }
0xaa: {  	[dreg:$0x4] =	wrdreg $0xC0  }
0xab: {  	_ =	task [dreg:s6], $0x5FFFF  }
0xac: {  	[dreg:$0x1] =	wrdreg $0xFFFFFFFF  }
0xad: {  	[dreg:$0x0] =	wrdreg $0x60  }
0xae: {  	[dreg:$0x2] =	wrdreg s24  }
0xaf: {  	[dreg:$0x3] =	wrdreg $0x9  }
0xb0: {  	_ =	task.clear_ibuf [dreg:s6], $0x4FFFF;
	_ =	strace $0x90000046  }
0xb1: {  	s29 =	simm.s32 $0x9;
	_ =	strace $0x80000048  }
0xb2: {  	_ =	swait.ge [sflag:s29], $0x1  }
0xb3: {  	[sflag:s29] =	ssyncadd.s32 $0xFFFFFFFF  }
0xb4: {  	_ =	strace $0x90000048  }
0xb5: {  	_ =	sfence  }
0xb6: {  	s30 =	sld [smem:$0x0];
	_ =	sdelay $0x2  }
0xb7: {  	s31 =	sshll.u32 s1, $0xD;
	s1 =	sshrl.u32 s1, $0x2  }
0xb8: {  	s3 =	sand.u32 $0x4000, s31;
	s1 =	sadd.s32 s1, s30  }
0xb9: {  	s0 =	sor.u32 s3, s0;
	s1 =	sshll.u32 s1, $0x11  }
0xba: {  	s0 =	sor.u32 s1, s0  }
0xbb: {  	s0 =	sadd.s32 $0x8F2B, s0  }
0xbc: {  	[sflag:s0] =	ssyncadd.remote.s32 $0x1  }
0xbd: {  	_ =	sfence.sel $0xFFFF  }
0xbe: {  	[dreg:$0x0] =	wrdreg $0xFFFFFFFF;
	(pc) =	sbr.abs _section_cstart, $3  }
0xbf: {  	[dreg:$0x1] =	wrdreg $0xFFFFFFFF  }
0xc0: {  	_ =	task.clear_ibuf [dreg:s6], $0x2FFFF;
	_ =	strace $0x9FFFFFFF  }
0xc1: {  	(tm) =	ssettm $0x7FFFFFFF  }
tec
execute0_lowered:
.L_overlay_start_1:
0x0: {  	(tag) =	ssettag $0x1  }
0x1: {  	s2 =	rddreg [dreg:$0x0];
	s3 =	simm.s32 $0x0;
	s0 =	srdreg.scid  }
0x2: {  	s1 =	stileid.u32;
	s12 =	simm.s32 $0x8000;
	s13 =	simm.s32 $0x10000  }
0x3: {  	s14 =	simm.s32 $0x4000;
	s15 =	simm.s32 $0xC000;
	s16 =	simm.s32 $0x14000  }
0x4: {  	s17 =	simm.s32 $0x1;
	s18 =	simm.s32 $0x18000;
	s19 =	simm.s32 $0x18010  }
0x5: {  	s20 =	simm.s32 $0x18020;
	s21 =	simm.s32 $0x18030;
	s22 =	simm.s32 $0x2  }
0x6: {  	s24 =	simm.s32 $0x3;
	s25 =	simm.s32 $0x0;
	[smem:$0x7FF] =	sst s3  }
0x7: {  	s0 =	sand.u32 $0x1, s0;
	s1 =	sshll.u32 s1, $0x1;
	s4 =	sadd.s32 $0x800000, s2  }
0x8: {  	s5 =	sadd.s32 $0x1000000, s2;
	s1 =	sor.u32 s0, s1;
	s0 =	ssub.s32 $0x2, s0  }
0x9: {  	_ =	strace $0x80000047;
	s6 =	sshll.u32 s1, $0x4;
	s31 =	sshrl.u32 s0, $0x1  }
0xa: {  	s9 =	sshll.u32 s1, $0x11;
	s10 =	sadd.s32 s6, s2;
	s0 =	ssub.s32 s0, s31  }
0xb: {  	v0 =	vimm.f32 $0.0e+00;
	v1 =	vlaneseq.u32;
	s6 =	sshll.u32 s1, $0x6;
	s7 =	sadd.s32 s2, s9;
	s8 =	sadd.s32 s4, s9  }
0xc: {  	v2 =	vor.u32 $0x10, v1;
	v3 =	vor.u32 $0x20, v1;
	v4 =	vor.u32 $0x30, v1;
	s9 =	sadd.s32 s5, s9;
	s10 =	sadd.s32 $0x1800000, s10;
	s11 =	smax.u32 s0, $0x1  }
.LBB2_1:
0xd: {  	[tilespmem:$0x18000] =	vst v0  }
0xe: {  	[tilespmem:$0x18010] =	vst v0  }
0xf: {  	[tilespmem:$0x18020] =	vst v0  }
0x10: {  	[tilespmem:$0x18030] =	vst v0  }
0x11: {  	[tilespmem:s3], [sflag:$0x1] =	stream.linear.gather [hbm4b:s7+s3], $0x4000, $0x38;
	[tilespmem:$0x18100] =	vst v63  }
0x12: {  	_ = 	snop  }
0x13: {  	[tilespmem:s12], [sflag:$0x1] =	stream.linear.gather [hbm4b:s8+s3], $0x4000, $0x38;
	[tilespmem:$0x18100] =	vst v63  }
0x14: {  	s26 =	simm.s32 $0x0  }
0x15: {  	[tilespmem:s13], [sflag:$0x1] =	stream.linear.gather [hbm4b:s9+s3], $0x4000, $0x38;
	[tilespmem:$0x18100] =	vst v63  }
.LBB2_2:
0x16: {  	s28 =	sshll.u32 s26, $0x1  }
0x17: {  	s0 =	sadd.s32 s28, s6  }
0x18: {  	s0 =	sshll.u32 s0, $0xB  }
0x19: {  	s0 =	sadd.s32 $0x800, s0  }
0x1a: {  	s0 =	sand.u32 $0x1FFFF800, s0  }
0x1b: {  	s29 =	simm.s32 $0x0;
	s1 =	sadd.s32 s2, s0  }
0x1c: {  	[tilespmem:s14], [sflag:$0x2] =	stream.linear.gather [hbm4b:s1+s29], $0x4000, $0x38;
	[tilespmem:$0x18100] =	vst v63  }
0x1d: {  	s23 =	sadd.s32 s4, s0  }
0x1e: {  	[tilespmem:s15], [sflag:$0x2] =	stream.linear.gather [hbm4b:s23+s29], $0x4000, $0x38;
	[tilespmem:$0x18100] =	vst v63  }
0x1f: {  	s0 =	sadd.s32 s5, s0  }
0x20: {  	[tilespmem:s16], [sflag:$0x2] =	stream.linear.gather [hbm4b:s0+s29], $0x4000, $0x38;
	[tilespmem:$0x18100] =	vst v63  }
0x21: {  	_ =	swait.ge [sflag:s17], $0x4000  }
0x22: {  	[sflag:s17] =	ssyncset.done $0x0  }
0x23: {  	[sflag:s17] =	ssyncadd.s32 $0xFFFFC000  }
0x24: {  	_ =	swait.ge [sflag:s17], $0x4000  }
0x25: {  	[sflag:s17] =	ssyncset.done $0x0  }
0x26: {  	[sflag:s17] =	ssyncadd.s32 $0xFFFFC000  }
0x27: {  	_ =	swait.ge [sflag:s17], $0x4000  }
0x28: {  	[sflag:s17] =	ssyncset.done $0x0  }
0x29: {  	s30 =	simm.s32 $0x0;
	[sflag:s17] =	ssyncadd.s32 $0xFFFFC000  }
0x2a: {  	v5 =	vld [tilespmem:s30+$0x10000];
	_ =	sdelay $0x4  }
0x2b: {  	v5 =	vshll.u32 v5, $0x7  }
0x2c: {  	v5 =	vor.u32 v1, v5;
	_ =	sdelay $0x2  }
0x2d: {  	v6 =	vld [tilespmem:s30+$0x8000]  }
0x2e: {  	v7 =	vld [tilespmem:s30+$0x0]  }
0x2f: {  	v8 =	vld.idx.msk [tilespmem:v5+s12+$0x0], $0xffff  }
0x30: {  	v5 =	vld.idx.msk [tilespmem:v5+s3+$0x0], $0xffff;
	_ =	sdelay $0x2  }
0x31: {  	v6 =	vsub.f32 v7, v6;
	_ =	sdelay $0x1  }
0x32: {  	v9 =	vand.u32 $0x7FFFFFFF, v6;
	v5 =	vsub.f32 v5, v8  }
0x33: {  	v6 =	vmul.f32 v9, v6  }
0x34: {  	s29 =	simm.s32 $0x80;
	v5 =	vand.u32 $0x80000000, v5  }
0x35: {  	v7 =	vld [tilespmem:s29+$0x10000];
	v5 =	vxor.u32 v6, v5  }
0x36: {  	[tilespmem:s18+$0x0] =	vst.add.f32.msk $0xffff, v5  }
0x37: {  	v5 =	vld [tilespmem:s30+$0x10010];
	_ =	sdelay $0x2  }
0x38: {  	s31 =	simm.s32 $0x100;
	v7 =	vshll.u32 v7, $0x7  }
0x39: {  	v10 =	vld [tilespmem:s31+$0x10000];
	v6 =	vor.u32 v1, v7  }
0x3a: {  	v9 =	vld [tilespmem:s29+$0x0];
	v5 =	vshll.u32 v5, $0x7  }
0x3b: {  	v8 =	vld [tilespmem:s29+$0x8000];
	v5 =	vor.u32 v2, v5  }
0x3c: {  	v11 =	vld [tilespmem:s30+$0x8010]  }
0x3d: {  	v12 =	vld [tilespmem:s30+$0x10]  }
0x3e: {  	v7 =	vld.idx.msk [tilespmem:v6+s12+$0x0], $0xffff  }
0x3f: {  	v6 =	vld.idx.msk [tilespmem:v6+s3+$0x0], $0xffff  }
0x40: {  	v13 =	vld.idx.msk [tilespmem:v5+s3+$0x0], $0xffff  }
0x41: {  	v10 =	vshll.u32 v10, $0x7;
	v5 =	vld.idx.msk [tilespmem:v5+s12+$0x0], $0xffff  }
0x42: {  	v8 =	vsub.f32 v9, v8;
	v9 =	vor.u32 v1, v10;
	_ =	sdelay $0x1  }
0x43: {  	v10 =	vand.u32 $0x7FFFFFFF, v8;
	v6 =	vsub.f32 v6, v7;
	v7 =	vsub.f32 v12, v11  }
0x44: {  	v8 =	vmul.f32 v10, v8  }
0x45: {  	v6 =	vand.u32 $0x80000000, v6;
	v10 =	vand.u32 $0x7FFFFFFF, v7;
	v5 =	vsub.f32 v13, v5  }
0x46: {  	v11 =	vld.idx.msk [tilespmem:v9+s12+$0x0], $0xffff;
	v6 =	vxor.u32 v8, v6;
	v7 =	vmul.f32 v10, v7  }
0x47: {  	[tilespmem:s18+$0x0] =	vst.add.f32.msk $0xffff, v6;
	v5 =	vand.u32 $0x80000000, v5  }
0x48: {  	v6 =	vld [tilespmem:s29+$0x10010];
	v5 =	vxor.u32 v7, v5  }
0x49: {  	[tilespmem:s19+$0x0] =	vst.add.f32.msk $0xffff, v5  }
0x4a: {  	v5 =	vld [tilespmem:s30+$0x10020]  }
0x4b: {  	v9 =	vld.idx.msk [tilespmem:v9+s3+$0x0], $0xffff  }
0x4c: {  	s0 =	simm.s32 $0x180;
	v8 =	vld [tilespmem:s31+$0x0]  }
0x4d: {  	v10 =	vld [tilespmem:s0+$0x10000];
	v6 =	vshll.u32 v6, $0x7  }
0x4e: {  	v14 =	vld [tilespmem:s29+$0x8010];
	v6 =	vor.u32 v2, v6  }
0x4f: {  	v15 =	vld [tilespmem:s29+$0x10];
	v5 =	vshll.u32 v5, $0x7  }
0x50: {  	v7 =	vld [tilespmem:s31+$0x8000];
	v5 =	vor.u32 v3, v5  }
0x51: {  	v60 =	vld [tilespmem:s30+$0x8020]  }
0x52: {  	v61 =	vld [tilespmem:s30+$0x20]  }
0x53: {  	v16 =	vld.idx.msk [tilespmem:v6+s3+$0x0], $0xffff  }
0x54: {  	v10 =	vshll.u32 v10, $0x7;
	v6 =	vld.idx.msk [tilespmem:v6+s12+$0x0], $0xffff  }
0x55: {  	v7 =	vsub.f32 v8, v7;
	v8 =	vor.u32 v1, v10;
	v10 =	vld.idx.msk [tilespmem:v5+s3+$0x0], $0xffff  }
0x56: {  	v9 =	vsub.f32 v9, v11;
	v5 =	vld.idx.msk [tilespmem:v5+s12+$0x0], $0xffff  }
0x57: {  	v14 =	vsub.f32 v15, v14;
	v11 =	vand.u32 $0x7FFFFFFF, v7  }
0x58: {  	v63 =	vld [tilespmem:s0+$0x0];
	v9 =	vand.u32 $0x80000000, v9;
	v7 =	vmul.f32 v11, v7  }
0x59: {  	v15 =	vand.u32 $0x7FFFFFFF, v14;
	v12 =	vsub.f32 v61, v60;
	v11 =	vld [tilespmem:s0+$0x8000];
	v62 =	vsub.f32 v16, v6  }
0x5a: {  	v14 =	vmul.f32 v15, v14;
	v6 =	vld.idx.msk [tilespmem:v8+s12+$0x0], $0xffff;
	v7 =	vxor.u32 v7, v9  }
0x5b: {  	v9 =	vand.u32 $0x7FFFFFFF, v12;
	[tilespmem:s18+$0x0] =	vst.add.f32.msk $0xffff, v7;
	v7 =	vand.u32 $0x80000000, v62;
	v5 =	vsub.f32 v10, v5  }
0x5c: {  	v12 =	vmul.f32 v9, v12;
	v9 =	vld [tilespmem:s31+$0x10010];
	v7 =	vxor.u32 v14, v7  }
0x5d: {  	[tilespmem:s19+$0x0] =	vst.add.f32.msk $0xffff, v7;
	v5 =	vand.u32 $0x80000000, v5  }
0x5e: {  	v10 =	vld.idx.msk [tilespmem:v8+s3+$0x0], $0xffff;
	v7 =	vxor.u32 v12, v5;
	v5 =	vsub.f32 v63, v11  }
0x5f: {  	v8 =	vld [tilespmem:s29+$0x10020]  }
0x60: {  	s1 =	simm.s32 $0x800;
	[tilespmem:s20+$0x0] =	vst.add.f32.msk $0xffff, v7;
	v7 =	vand.u32 $0x7FFFFFFF, v5  }
.LBB2_3:
0x61: {  	s23 =	sshra.s32 s1, $0x2;
	p0 =	sne.s32 s1, $0xFE00;
	s1 =	sadd.s32 $0x200, s1;
	v9 =	vshll.u32 v9, $0x7;
	v11 =	vld [tilespmem:s30+$0x30]  }
0x62: {  	v9 =	vor.u32 v2, v9;
	v12 =	vld [tilespmem:s30+$0x10030]  }
0x63: {  	v6 =	vsub.f32 v10, v6;
	v13 =	vld [tilespmem:s23+$0x10000]  }
0x64: {  	v8 =	vshll.u32 v8, $0x7;
	v10 =	vld [tilespmem:s30+$0x8030];
	s30 =	smov.u32 s29;
	s29 =	smov.u32 s31;
	s31 =	smov.u32 s0  }
0x65: {  	v14 =	vand.u32 $0x80000000, v6;
	s0 =	smov.u32 s23;
	v6 =	vld [tilespmem:s30+$0x8020]  }
0x66: {  	v8 =	vor.u32 v3, v8;
	v15 =	vld [tilespmem:s30+$0x20]  }
0x67: {  	v16 =	vld.idx.msk [tilespmem:v9+s3+$0x0], $0xffff;
	v12 =	vshll.u32 v12, $0x7  }
0x68: {  	v13 =	vshll.u32 v13, $0x7;
	v17 =	vld [tilespmem:s29+$0x8010];
	v12 =	vor.u32 v4, v12  }
0x69: {  	v13 =	vor.u32 v1, v13;
	v18 =	vld [tilespmem:s29+$0x10];
	v10 =	vsub.f32 v11, v10  }
0x6a: {  	v9 =	vld.idx.msk [tilespmem:v9+s12+$0x0], $0xffff  }
0x6b: {  	v6 =	vsub.f32 v15, v6;
	v11 =	vld.idx.msk [tilespmem:v8+s3+$0x0], $0xffff;
	v15 =	vand.u32 $0x7FFFFFFF, v10  }
0x6c: {  	v8 =	vld.idx.msk [tilespmem:v8+s12+$0x0], $0xffff;
	v15 =	vmul.f32 v15, v10  }
0x6d: {  	v10 =	vand.u32 $0x7FFFFFFF, v6;
	v19 =	vld.idx.msk [tilespmem:v12+s12+$0x0], $0xffff  }
0x6e: {  	v17 =	vsub.f32 v18, v17;
	v18 =	vmul.f32 v10, v6;
	v10 =	vld.idx.msk [tilespmem:v12+s3+$0x0], $0xffff  }
0x6f: {  	v5 =	vmul.f32 v7, v5;
	v6 =	vld.idx.msk [tilespmem:v13+s12+$0x0], $0xffff  }
0x70: {  	v9 =	vsub.f32 v16, v9;
	v7 =	vld [tilespmem:s0+$0x8000];
	v12 =	vand.u32 $0x7FFFFFFF, v17  }
0x71: {  	v5 =	vxor.u32 v5, v14;
	v16 =	vld [tilespmem:s0+$0x0];
	v12 =	vmul.f32 v12, v17  }
0x72: {  	v8 =	vsub.f32 v11, v8;
	[tilespmem:s18+$0x0] =	vst.add.f32.msk $0xffff, v5;
	v5 =	vand.u32 $0x80000000, v9  }
0x73: {  	v9 =	vld [tilespmem:s31+$0x10010];
	v5 =	vxor.u32 v12, v5  }
.Ltmp0:
0x74: {  	[tilespmem:s19+$0x0] =	vst.add.f32.msk $0xffff, v5;
	v5 =	vand.u32 $0x80000000, v8;
	v8 =	vsub.f32 v10, v19;
	(pc) =	sbr.rel @p0 .LBB2_3-.Ltmp0, $4  }
0x75: {  	v10 =	vld.idx.msk [tilespmem:v13+s3+$0x0], $0xffff;
	v11 =	vxor.u32 v18, v5  }
0x76: {  	v5 =	vsub.f32 v16, v7;
	[tilespmem:s20+$0x0] =	vst.add.f32.msk $0xffff, v11;
	v7 =	vand.u32 $0x80000000, v8  }
0x77: {  	v8 =	vld [tilespmem:s29+$0x10020];
	v11 =	vxor.u32 v15, v7  }
0x78: {  	v7 =	vand.u32 $0x7FFFFFFF, v5;
	[tilespmem:s21+$0x0] =	vst.add.f32.msk $0xffff, v11  }
0x79: {  	_ = 	snop  }
0x7a: {  	v6 =	vsub.f32 v10, v6  }
0x7b: {  	v5 =	vmul.f32 v7, v5  }
0x7c: {  	v6 =	vand.u32 $0x80000000, v6  }
0x7d: {  	v5 =	vxor.u32 v5, v6  }
0x7e: {  	[tilespmem:s18+$0x0] =	vst.add.f32.msk $0xffff, v5  }
0x7f: {  	v5 =	vld [tilespmem:s0+$0x10010]  }
0x80: {  	v6 =	vshll.u32 v9, $0x7  }
0x81: {  	v6 =	vor.u32 v2, v6;
	_ =	sdelay $0x2  }
0x82: {  	v7 =	vld [tilespmem:s31+$0x8010];
	v5 =	vshll.u32 v5, $0x7  }
0x83: {  	v9 =	vld [tilespmem:s31+$0x10];
	v5 =	vor.u32 v2, v5  }
0x84: {  	v10 =	vld.idx.msk [tilespmem:v6+s3+$0x0], $0xffff  }
0x85: {  	v6 =	vld.idx.msk [tilespmem:v6+s12+$0x0], $0xffff  }
0x86: {  	v11 =	vld [tilespmem:s0+$0x8010]  }
0x87: {  	v12 =	vld [tilespmem:s0+$0x10]  }
0x88: {  	v7 =	vsub.f32 v9, v7;
	v9 =	vld.idx.msk [tilespmem:v5+s3+$0x0], $0xffff  }
0x89: {  	v5 =	vld.idx.msk [tilespmem:v5+s12+$0x0], $0xffff  }
0x8a: {  	v6 =	vsub.f32 v10, v6;
	v10 =	vand.u32 $0x7FFFFFFF, v7  }
0x8b: {  	v8 =	vshll.u32 v8, $0x7;
	v7 =	vmul.f32 v10, v7  }
0x8c: {  	v8 =	vor.u32 v3, v8;
	v10 =	vsub.f32 v12, v11;
	v6 =	vand.u32 $0x80000000, v6  }
0x8d: {  	v6 =	vxor.u32 v7, v6  }
0x8e: {  	[tilespmem:s19+$0x0] =	vst.add.f32.msk $0xffff, v6;
	v6 =	vand.u32 $0x7FFFFFFF, v10;
	v5 =	vsub.f32 v9, v5  }
0x8f: {  	v7 =	vld [tilespmem:s31+$0x10020];
	v6 =	vmul.f32 v6, v10  }
0x90: {  	v5 =	vand.u32 $0x80000000, v5  }
0x91: {  	v11 =	vld.idx.msk [tilespmem:v8+s3+$0x0], $0xffff;
	v5 =	vxor.u32 v6, v5  }
0x92: {  	[tilespmem:s19+$0x0] =	vst.add.f32.msk $0xffff, v5  }
0x93: {  	v5 =	vld [tilespmem:s0+$0x10020]  }
0x94: {  	v10 =	vld [tilespmem:s29+$0x20];
	v7 =	vshll.u32 v7, $0x7  }
0x95: {  	v6 =	vld [tilespmem:s29+$0x8020];
	v7 =	vor.u32 v3, v7  }
0x96: {  	v8 =	vld.idx.msk [tilespmem:v8+s12+$0x0], $0xffff  }
0x97: {  	v43 =	vld [tilespmem:s31+$0x8020]  }
0x98: {  	v13 =	vld [tilespmem:s31+$0x20];
	v5 =	vshll.u32 v5, $0x7  }
0x99: {  	v9 =	vld [tilespmem:s30+$0x10030];
	v5 =	vor.u32 v3, v5  }
0x9a: {  	v6 =	vsub.f32 v10, v6;
	v10 =	vld.idx.msk [tilespmem:v7+s3+$0x0], $0xffff  }
0x9b: {  	v7 =	vld.idx.msk [tilespmem:v7+s12+$0x0], $0xffff  }
0x9c: {  	v8 =	vsub.f32 v11, v8;
	v11 =	vld [tilespmem:s0+$0x8020];
	v14 =	vand.u32 $0x7FFFFFFF, v6  }
0x9d: {  	v44 =	vld [tilespmem:s0+$0x20];
	v6 =	vmul.f32 v14, v6  }
0x9e: {  	v8 =	vand.u32 $0x80000000, v8;
	v12 =	vsub.f32 v13, v43;
	v45 =	vld.idx.msk [tilespmem:v5+s3+$0x0], $0xffff  }
0x9f: {  	v6 =	vxor.u32 v6, v8;
	v5 =	vld.idx.msk [tilespmem:v5+s12+$0x0], $0xffff  }
0xa0: {  	[tilespmem:s20+$0x0] =	vst.add.f32.msk $0xffff, v6;
	v6 =	vand.u32 $0x7FFFFFFF, v12;
	v7 =	vsub.f32 v10, v7  }
0xa1: {  	v46 =	vld [tilespmem:s30+$0x8030];
	v8 =	vshll.u32 v9, $0x7;
	v6 =	vmul.f32 v6, v12  }
0xa2: {  	v11 =	vsub.f32 v44, v11;
	v8 =	vor.u32 v4, v8;
	v10 =	vld [tilespmem:s30+$0x30];
	v7 =	vand.u32 $0x80000000, v7  }
0xa3: {  	v9 =	vld [tilespmem:s29+$0x10030];
	v6 =	vxor.u32 v6, v7  }
0xa4: {  	[tilespmem:s20+$0x0] =	vst.add.f32.msk $0xffff, v6;
	v6 =	vand.u32 $0x7FFFFFFF, v11;
	v5 =	vsub.f32 v45, v5  }
0xa5: {  	v47 =	vld [tilespmem:s29+$0x8030];
	v6 =	vmul.f32 v6, v11  }
0xa6: {  	v7 =	vld [tilespmem:s31+$0x10030];
	v5 =	vand.u32 $0x80000000, v5  }
0xa7: {  	v11 =	vld.idx.msk [tilespmem:v8+s12+$0x0], $0xffff;
	v5 =	vxor.u32 v6, v5  }
0xa8: {  	v9 =	vshll.u32 v9, $0x7;
	[tilespmem:s20+$0x0] =	vst.add.f32.msk $0xffff, v5  }
0xa9: {  	v9 =	vor.u32 v4, v9;
	v5 =	vld [tilespmem:s0+$0x10030]  }
0xaa: {  	v8 =	vld.idx.msk [tilespmem:v8+s3+$0x0], $0xffff  }
0xab: {  	v15 =	vld [tilespmem:s31+$0x30]  }
0xac: {  	v16 =	vld [tilespmem:s31+$0x8030];
	v7 =	vshll.u32 v7, $0x7  }
0xad: {  	v6 =	vld [tilespmem:s29+$0x30];
	v7 =	vor.u32 v4, v7  }
0xae: {  	v48 =	vld.idx.msk [tilespmem:v9+s12+$0x0], $0xffff;
	v5 =	vshll.u32 v5, $0x7  }
0xaf: {  	v9 =	vld.idx.msk [tilespmem:v9+s3+$0x0], $0xffff;
	v5 =	vor.u32 v4, v5  }
0xb0: {  	v18 =	vld [tilespmem:s0+$0x30]  }
0xb1: {  	v49 =	vld [tilespmem:s0+$0x8030]  }
0xb2: {  	v10 =	vsub.f32 v10, v46;
	v17 =	vld.idx.msk [tilespmem:v7+s12+$0x0], $0xffff  }
0xb3: {  	v7 =	vld.idx.msk [tilespmem:v7+s3+$0x0], $0xffff  }
0xb4: {  	v50 =	vand.u32 $0x7FFFFFFF, v10;
	v8 =	vsub.f32 v8, v11;
	v11 =	vld.idx.msk [tilespmem:v5+s12+$0x0], $0xffff  }
0xb5: {  	v10 =	vmul.f32 v50, v10;
	v52 =	vsub.f32 v15, v16;
	v5 =	vld.idx.msk [tilespmem:v5+s3+$0x0], $0xffff  }
0xb6: {  	v8 =	vand.u32 $0x80000000, v8;
	v6 =	vsub.f32 v6, v47  }
0xb7: {  	v53 =	vand.u32 $0x7FFFFFFF, v52;
	v8 =	vxor.u32 v10, v8  }
0xb8: {  	v51 =	vand.u32 $0x7FFFFFFF, v6;
	v9 =	vsub.f32 v9, v48;
	v10 =	vsub.f32 v18, v49  }
0xb9: {  	s23 =	sadd.s32 $0x2, s28;
	v12 =	vmul.f32 v53, v52;
	v6 =	vmul.f32 v51, v6;
	v7 =	vsub.f32 v7, v17  }
0xba: {  	s0 =	sand.u32 $0x3E, s23;
	v9 =	vand.u32 $0x80000000, v9;
	v54 =	vand.u32 $0x7FFFFFFF, v10;
	v5 =	vsub.f32 v5, v11  }
0xbb: {  	s0 =	sor.u32 s6, s0;
	[tilespmem:s21+$0x0] =	vst.add.f32.msk $0xffff, v8;
	v6 =	vxor.u32 v6, v9;
	v8 =	vmul.f32 v54, v10;
	v7 =	vand.u32 $0x80000000, v7  }
0xbc: {  	s0 =	sshll.u32 s0, $0xB;
	[tilespmem:s21+$0x0] =	vst.add.f32.msk $0xffff, v6;
	v6 =	vxor.u32 v12, v7;
	v5 =	vand.u32 $0x80000000, v5  }
0xbd: {  	s0 =	sand.u32 $0x3FF000, s0;
	[tilespmem:s21+$0x0] =	vst.add.f32.msk $0xffff, v6;
	v5 =	vxor.u32 v8, v5  }
0xbe: {  	s23 =	simm.s32 $0x0;
	s1 =	sadd.s32 s2, s0;
	[tilespmem:s21+$0x0] =	vst.add.f32.msk $0xffff, v5  }
0xbf: {  	[tilespmem:s23], [sflag:$0x1] =	stream.linear.gather [hbm4b:s1+s23], $0x4000, $0x38;
	[tilespmem:$0x18100] =	vst v63  }
0xc0: {  	s31 =	sadd.s32 s4, s0  }
0xc1: {  	[tilespmem:s12], [sflag:$0x1] =	stream.linear.gather [hbm4b:s31+s23], $0x4000, $0x38;
	[tilespmem:$0x18100] =	vst v63  }
0xc2: {  	s0 =	sadd.s32 s5, s0  }
0xc3: {  	[tilespmem:s13], [sflag:$0x1] =	stream.linear.gather [hbm4b:s0+s23], $0x4000, $0x38;
	[tilespmem:$0x18100] =	vst v63  }
0xc4: {  	_ =	swait.ge [sflag:s22], $0x4000  }
0xc5: {  	[sflag:s22] =	ssyncset.done $0x0  }
0xc6: {  	[sflag:s22] =	ssyncadd.s32 $0xFFFFC000  }
0xc7: {  	_ =	swait.ge [sflag:s22], $0x4000  }
0xc8: {  	[sflag:s22] =	ssyncset.done $0x0  }
0xc9: {  	[sflag:s22] =	ssyncadd.s32 $0xFFFFC000  }
0xca: {  	_ =	swait.ge [sflag:s22], $0x4000  }
0xcb: {  	[sflag:s22] =	ssyncset.done $0x0  }
0xcc: {  	s29 =	simm.s32 $0x0;
	[sflag:s22] =	ssyncadd.s32 $0xFFFFC000  }
0xcd: {  	v5 =	vld [tilespmem:s29+$0x14000];
	_ =	sdelay $0x4  }
0xce: {  	v5 =	vshll.u32 v5, $0x7  }
0xcf: {  	v5 =	vor.u32 v1, v5;
	_ =	sdelay $0x2  }
0xd0: {  	v6 =	vld [tilespmem:s29+$0xC000]  }
0xd1: {  	v7 =	vld [tilespmem:s29+$0x4000]  }
0xd2: {  	v8 =	vld.idx.msk [tilespmem:v5+s15+$0x0], $0xffff  }
0xd3: {  	v5 =	vld.idx.msk [tilespmem:v5+s14+$0x0], $0xffff;
	_ =	sdelay $0x2  }
0xd4: {  	v6 =	vsub.f32 v7, v6;
	_ =	sdelay $0x1  }
0xd5: {  	v9 =	vand.u32 $0x7FFFFFFF, v6;
	v5 =	vsub.f32 v5, v8  }
0xd6: {  	v6 =	vmul.f32 v9, v6  }
0xd7: {  	s28 =	simm.s32 $0x80;
	v5 =	vand.u32 $0x80000000, v5  }
0xd8: {  	v7 =	vld [tilespmem:s28+$0x14000];
	v5 =	vxor.u32 v6, v5  }
0xd9: {  	[tilespmem:s18+$0x0] =	vst.add.f32.msk $0xffff, v5  }
0xda: {  	v5 =	vld [tilespmem:s29+$0x14010];
	_ =	sdelay $0x2  }
0xdb: {  	s30 =	simm.s32 $0x100;
	v7 =	vshll.u32 v7, $0x7  }
0xdc: {  	v10 =	vld [tilespmem:s30+$0x14000];
	v6 =	vor.u32 v1, v7  }
0xdd: {  	v9 =	vld [tilespmem:s28+$0x4000];
	v5 =	vshll.u32 v5, $0x7  }
0xde: {  	v8 =	vld [tilespmem:s28+$0xC000];
	v5 =	vor.u32 v2, v5  }
0xdf: {  	v11 =	vld [tilespmem:s29+$0xC010]  }
0xe0: {  	v55 =	vld [tilespmem:s29+$0x4010]  }
0xe1: {  	v7 =	vld.idx.msk [tilespmem:v6+s15+$0x0], $0xffff  }
0xe2: {  	v6 =	vld.idx.msk [tilespmem:v6+s14+$0x0], $0xffff  }
0xe3: {  	v56 =	vld.idx.msk [tilespmem:v5+s14+$0x0], $0xffff  }
0xe4: {  	v10 =	vshll.u32 v10, $0x7;
	v5 =	vld.idx.msk [tilespmem:v5+s15+$0x0], $0xffff  }
0xe5: {  	v8 =	vsub.f32 v9, v8;
	v9 =	vor.u32 v1, v10;
	_ =	sdelay $0x1  }
0xe6: {  	v10 =	vand.u32 $0x7FFFFFFF, v8;
	v6 =	vsub.f32 v6, v7;
	v7 =	vsub.f32 v55, v11  }
0xe7: {  	v8 =	vmul.f32 v10, v8  }
0xe8: {  	v6 =	vand.u32 $0x80000000, v6;
	v10 =	vand.u32 $0x7FFFFFFF, v7;
	v5 =	vsub.f32 v56, v5  }
0xe9: {  	v11 =	vld.idx.msk [tilespmem:v9+s15+$0x0], $0xffff;
	v6 =	vxor.u32 v8, v6;
	v7 =	vmul.f32 v10, v7  }
0xea: {  	[tilespmem:s18+$0x0] =	vst.add.f32.msk $0xffff, v6;
	v5 =	vand.u32 $0x80000000, v5  }
0xeb: {  	v6 =	vld [tilespmem:s28+$0x14010];
	v5 =	vxor.u32 v7, v5  }
0xec: {  	[tilespmem:s19+$0x0] =	vst.add.f32.msk $0xffff, v5  }
0xed: {  	v5 =	vld [tilespmem:s29+$0x14020]  }
0xee: {  	v9 =	vld.idx.msk [tilespmem:v9+s14+$0x0], $0xffff  }
0xef: {  	s0 =	simm.s32 $0x180;
	v8 =	vld [tilespmem:s30+$0x4000]  }
0xf0: {  	v10 =	vld [tilespmem:s0+$0x14000];
	v6 =	vshll.u32 v6, $0x7  }
0xf1: {  	v59 =	vld [tilespmem:s28+$0xC010];
	v6 =	vor.u32 v2, v6  }
0xf2: {  	v60 =	vld [tilespmem:s28+$0x4010];
	v5 =	vshll.u32 v5, $0x7  }
0xf3: {  	v7 =	vld [tilespmem:s30+$0xC000];
	v5 =	vor.u32 v3, v5  }
0xf4: {  	v57 =	vld [tilespmem:s29+$0xC020]  }
0xf5: {  	v58 =	vld [tilespmem:s29+$0x4020]  }
0xf6: {  	v61 =	vld.idx.msk [tilespmem:v6+s14+$0x0], $0xffff  }
0xf7: {  	v10 =	vshll.u32 v10, $0x7;
	v6 =	vld.idx.msk [tilespmem:v6+s15+$0x0], $0xffff  }
0xf8: {  	v7 =	vsub.f32 v8, v7;
	v8 =	vor.u32 v1, v10;
	v10 =	vld.idx.msk [tilespmem:v5+s14+$0x0], $0xffff  }
0xf9: {  	v9 =	vsub.f32 v9, v11;
	v5 =	vld.idx.msk [tilespmem:v5+s15+$0x0], $0xffff  }
0xfa: {  	v14 =	vsub.f32 v60, v59;
	v11 =	vand.u32 $0x7FFFFFFF, v7  }
0xfb: {  	v63 =	vld [tilespmem:s0+$0x4000];
	v9 =	vand.u32 $0x80000000, v9;
	v7 =	vmul.f32 v11, v7  }
0xfc: {  	v15 =	vand.u32 $0x7FFFFFFF, v14;
	v12 =	vsub.f32 v58, v57;
	v11 =	vld [tilespmem:s0+$0xC000];
	v62 =	vsub.f32 v61, v6  }
0xfd: {  	v14 =	vmul.f32 v15, v14;
	v6 =	vld.idx.msk [tilespmem:v8+s15+$0x0], $0xffff;
	v7 =	vxor.u32 v7, v9  }
0xfe: {  	v9 =	vand.u32 $0x7FFFFFFF, v12;
	[tilespmem:s18+$0x0] =	vst.add.f32.msk $0xffff, v7;
	v7 =	vand.u32 $0x80000000, v62;
	v5 =	vsub.f32 v10, v5  }
0xff: {  	v12 =	vmul.f32 v9, v12;
	v9 =	vld [tilespmem:s30+$0x14010];
	v7 =	vxor.u32 v14, v7  }
0x100: {  	[tilespmem:s19+$0x0] =	vst.add.f32.msk $0xffff, v7;
	v5 =	vand.u32 $0x80000000, v5  }
0x101: {  	v10 =	vld.idx.msk [tilespmem:v8+s14+$0x0], $0xffff;
	v7 =	vxor.u32 v12, v5;
	v5 =	vsub.f32 v63, v11  }
0x102: {  	v8 =	vld [tilespmem:s28+$0x14020]  }
0x103: {  	s1 =	simm.s32 $0x800;
	[tilespmem:s20+$0x0] =	vst.add.f32.msk $0xffff, v7;
	v7 =	vand.u32 $0x7FFFFFFF, v5  }
.LBB2_5:
0x104: {  	s23 =	sshra.s32 s1, $0x2;
	p0 =	sne.s32 s1, $0xFE00;
	s1 =	sadd.s32 $0x200, s1;
	v9 =	vshll.u32 v9, $0x7;
	v11 =	vld [tilespmem:s29+$0x4030]  }
0x105: {  	v9 =	vor.u32 v2, v9;
	v12 =	vld [tilespmem:s29+$0x14030]  }
0x106: {  	v6 =	vsub.f32 v10, v6;
	v13 =	vld [tilespmem:s23+$0x14000]  }
0x107: {  	v8 =	vshll.u32 v8, $0x7;
	v10 =	vld [tilespmem:s29+$0xC030];
	s29 =	smov.u32 s28;
	s28 =	smov.u32 s30;
	s30 =	smov.u32 s0  }
0x108: {  	v14 =	vand.u32 $0x80000000, v6;
	s0 =	smov.u32 s23;
	v6 =	vld [tilespmem:s29+$0xC020]  }
0x109: {  	v8 =	vor.u32 v3, v8;
	v15 =	vld [tilespmem:s29+$0x4020]  }
0x10a: {  	v16 =	vld.idx.msk [tilespmem:v9+s14+$0x0], $0xffff;
	v12 =	vshll.u32 v12, $0x7  }
0x10b: {  	v13 =	vshll.u32 v13, $0x7;
	v17 =	vld [tilespmem:s28+$0xC010];
	v12 =	vor.u32 v4, v12  }
0x10c: {  	v13 =	vor.u32 v1, v13;
	v18 =	vld [tilespmem:s28+$0x4010];
	v10 =	vsub.f32 v11, v10  }
0x10d: {  	v9 =	vld.idx.msk [tilespmem:v9+s15+$0x0], $0xffff  }
0x10e: {  	v6 =	vsub.f32 v15, v6;
	v11 =	vld.idx.msk [tilespmem:v8+s14+$0x0], $0xffff;
	v15 =	vand.u32 $0x7FFFFFFF, v10  }
0x10f: {  	v8 =	vld.idx.msk [tilespmem:v8+s15+$0x0], $0xffff;
	v15 =	vmul.f32 v15, v10  }
0x110: {  	v10 =	vand.u32 $0x7FFFFFFF, v6;
	v19 =	vld.idx.msk [tilespmem:v12+s15+$0x0], $0xffff  }
0x111: {  	v17 =	vsub.f32 v18, v17;
	v18 =	vmul.f32 v10, v6;
	v10 =	vld.idx.msk [tilespmem:v12+s14+$0x0], $0xffff  }
0x112: {  	v5 =	vmul.f32 v7, v5;
	v6 =	vld.idx.msk [tilespmem:v13+s15+$0x0], $0xffff  }
0x113: {  	v9 =	vsub.f32 v16, v9;
	v7 =	vld [tilespmem:s0+$0xC000];
	v12 =	vand.u32 $0x7FFFFFFF, v17  }
0x114: {  	v5 =	vxor.u32 v5, v14;
	v16 =	vld [tilespmem:s0+$0x4000];
	v12 =	vmul.f32 v12, v17  }
0x115: {  	v8 =	vsub.f32 v11, v8;
	[tilespmem:s18+$0x0] =	vst.add.f32.msk $0xffff, v5;
	v5 =	vand.u32 $0x80000000, v9  }
0x116: {  	v9 =	vld [tilespmem:s30+$0x14010];
	v5 =	vxor.u32 v12, v5  }
.Ltmp1:
0x117: {  	[tilespmem:s19+$0x0] =	vst.add.f32.msk $0xffff, v5;
	v5 =	vand.u32 $0x80000000, v8;
	v8 =	vsub.f32 v10, v19;
	(pc) =	sbr.rel @p0 .LBB2_5-.Ltmp1, $4  }
0x118: {  	v10 =	vld.idx.msk [tilespmem:v13+s14+$0x0], $0xffff;
	v11 =	vxor.u32 v18, v5  }
0x119: {  	v5 =	vsub.f32 v16, v7;
	[tilespmem:s20+$0x0] =	vst.add.f32.msk $0xffff, v11;
	v7 =	vand.u32 $0x80000000, v8  }
0x11a: {  	v8 =	vld [tilespmem:s28+$0x14020];
	v11 =	vxor.u32 v15, v7  }
0x11b: {  	v7 =	vand.u32 $0x7FFFFFFF, v5;
	[tilespmem:s21+$0x0] =	vst.add.f32.msk $0xffff, v11  }
0x11c: {  	_ = 	snop  }
0x11d: {  	v6 =	vsub.f32 v10, v6  }
0x11e: {  	v5 =	vmul.f32 v7, v5  }
0x11f: {  	v6 =	vand.u32 $0x80000000, v6  }
0x120: {  	v5 =	vxor.u32 v5, v6  }
0x121: {  	[tilespmem:s18+$0x0] =	vst.add.f32.msk $0xffff, v5  }
0x122: {  	v5 =	vld [tilespmem:s0+$0x14010]  }
0x123: {  	v6 =	vshll.u32 v9, $0x7  }
0x124: {  	v6 =	vor.u32 v2, v6;
	_ =	sdelay $0x2  }
0x125: {  	v7 =	vld [tilespmem:s30+$0xC010];
	v5 =	vshll.u32 v5, $0x7  }
0x126: {  	v35 =	vld [tilespmem:s30+$0x4010];
	v5 =	vor.u32 v2, v5  }
0x127: {  	v36 =	vld.idx.msk [tilespmem:v6+s14+$0x0], $0xffff  }
0x128: {  	v6 =	vld.idx.msk [tilespmem:v6+s15+$0x0], $0xffff  }
0x129: {  	v11 =	vld [tilespmem:s0+$0xC010]  }
0x12a: {  	v12 =	vld [tilespmem:s0+$0x4010]  }
0x12b: {  	v7 =	vsub.f32 v35, v7;
	v37 =	vld.idx.msk [tilespmem:v5+s14+$0x0], $0xffff  }
0x12c: {  	v5 =	vld.idx.msk [tilespmem:v5+s15+$0x0], $0xffff  }
0x12d: {  	v38 =	vand.u32 $0x7FFFFFFF, v7;
	v6 =	vsub.f32 v36, v6  }
0x12e: {  	v7 =	vmul.f32 v38, v7  }
0x12f: {  	v39 =	vsub.f32 v12, v11;
	v6 =	vand.u32 $0x80000000, v6  }
0x130: {  	v6 =	vxor.u32 v7, v6  }
0x131: {  	[tilespmem:s19+$0x0] =	vst.add.f32.msk $0xffff, v6;
	v6 =	vand.u32 $0x7FFFFFFF, v39;
	v5 =	vsub.f32 v37, v5  }
0x132: {  	v7 =	vld [tilespmem:s30+$0x14020];
	v6 =	vmul.f32 v6, v39  }
0x133: {  	v8 =	vshll.u32 v8, $0x7;
	v5 =	vand.u32 $0x80000000, v5  }
0x134: {  	v40 =	vld [tilespmem:s29+$0x14030];
	v8 =	vor.u32 v3, v8;
	v5 =	vxor.u32 v6, v5  }
0x135: {  	[tilespmem:s19+$0x0] =	vst.add.f32.msk $0xffff, v5  }
0x136: {  	v5 =	vld [tilespmem:s0+$0x14020]  }
0x137: {  	v41 =	vld [tilespmem:s28+$0x4020];
	v7 =	vshll.u32 v7, $0x7  }
0x138: {  	v6 =	vld [tilespmem:s28+$0xC020];
	v7 =	vor.u32 v3, v7  }
0x139: {  	v42 =	vld.idx.msk [tilespmem:v8+s14+$0x0], $0xffff  }
0x13a: {  	v8 =	vld.idx.msk [tilespmem:v8+s15+$0x0], $0xffff  }
0x13b: {  	v43 =	vld [tilespmem:s30+$0xC020];
	v5 =	vshll.u32 v5, $0x7  }
0x13c: {  	v13 =	vld [tilespmem:s30+$0x4020];
	v5 =	vor.u32 v3, v5  }
0x13d: {  	v6 =	vsub.f32 v41, v6;
	v44 =	vld.idx.msk [tilespmem:v7+s14+$0x0], $0xffff  }
0x13e: {  	v7 =	vld.idx.msk [tilespmem:v7+s15+$0x0], $0xffff  }
0x13f: {  	v8 =	vsub.f32 v42, v8;
	v45 =	vld [tilespmem:s0+$0xC020];
	v14 =	vand.u32 $0x7FFFFFFF, v6  }
0x140: {  	v46 =	vld [tilespmem:s0+$0x4020];
	v6 =	vmul.f32 v14, v6  }
0x141: {  	v8 =	vand.u32 $0x80000000, v8;
	v12 =	vsub.f32 v13, v43;
	v47 =	vld.idx.msk [tilespmem:v5+s14+$0x0], $0xffff  }
0x142: {  	v6 =	vxor.u32 v6, v8;
	v5 =	vld.idx.msk [tilespmem:v5+s15+$0x0], $0xffff  }
0x143: {  	v48 =	vshll.u32 v40, $0x7;
	[tilespmem:s20+$0x0] =	vst.add.f32.msk $0xffff, v6;
	v6 =	vand.u32 $0x7FFFFFFF, v12;
	v7 =	vsub.f32 v44, v7  }
0x144: {  	v50 =	vld [tilespmem:s29+$0x4030];
	v8 =	vor.u32 v4, v48;
	v6 =	vmul.f32 v6, v12  }
0x145: {  	v51 =	vld [tilespmem:s29+$0xC030];
	v11 =	vsub.f32 v46, v45;
	v7 =	vand.u32 $0x80000000, v7  }
0x146: {  	v49 =	vld [tilespmem:s28+$0x14030];
	v6 =	vxor.u32 v6, v7  }
0x147: {  	[tilespmem:s20+$0x0] =	vst.add.f32.msk $0xffff, v6;
	v6 =	vand.u32 $0x7FFFFFFF, v11;
	v5 =	vsub.f32 v47, v5  }
0x148: {  	v53 =	vld [tilespmem:s28+$0xC030];
	v6 =	vmul.f32 v6, v11  }
0x149: {  	v52 =	vld.idx.msk [tilespmem:v8+s15+$0x0], $0xffff;
	v5 =	vand.u32 $0x80000000, v5  }
0x14a: {  	v7 =	vld [tilespmem:s30+$0x14030];
	v5 =	vxor.u32 v6, v5  }
0x14b: {  	v9 =	vshll.u32 v49, $0x7;
	[tilespmem:s20+$0x0] =	vst.add.f32.msk $0xffff, v5  }
0x14c: {  	v9 =	vor.u32 v4, v9;
	v5 =	vld [tilespmem:s0+$0x14030]  }
0x14d: {  	v8 =	vld.idx.msk [tilespmem:v8+s14+$0x0], $0xffff  }
0x14e: {  	v15 =	vld [tilespmem:s30+$0x4030]  }
0x14f: {  	v16 =	vld [tilespmem:s30+$0xC030];
	v7 =	vshll.u32 v7, $0x7  }
0x150: {  	v6 =	vld [tilespmem:s28+$0x4030];
	v7 =	vor.u32 v4, v7  }
0x151: {  	v54 =	vld.idx.msk [tilespmem:v9+s15+$0x0], $0xffff;
	v5 =	vshll.u32 v5, $0x7  }
0x152: {  	v9 =	vld.idx.msk [tilespmem:v9+s14+$0x0], $0xffff;
	v5 =	vor.u32 v4, v5  }
0x153: {  	v18 =	vld [tilespmem:s0+$0x4030]  }
0x154: {  	v55 =	vld [tilespmem:s0+$0xC030]  }
0x155: {  	v10 =	vsub.f32 v50, v51;
	v17 =	vld.idx.msk [tilespmem:v7+s15+$0x0], $0xffff  }
0x156: {  	v7 =	vld.idx.msk [tilespmem:v7+s14+$0x0], $0xffff  }
0x157: {  	v57 =	vand.u32 $0x7FFFFFFF, v10;
	v8 =	vsub.f32 v8, v52;
	v56 =	vld.idx.msk [tilespmem:v5+s15+$0x0], $0xffff  }
0x158: {  	v10 =	vmul.f32 v57, v10;
	v59 =	vsub.f32 v15, v16;
	v5 =	vld.idx.msk [tilespmem:v5+s14+$0x0], $0xffff  }
0x159: {  	v8 =	vand.u32 $0x80000000, v8;
	v6 =	vsub.f32 v6, v53  }
0x15a: {  	v8 =	vxor.u32 v10, v8;
	v61 =	vand.u32 $0x7FFFFFFF, v59  }
0x15b: {  	s26 =	sadd.s32 $0x1, s26;
	v58 =	vand.u32 $0x7FFFFFFF, v6;
	v9 =	vsub.f32 v9, v54;
	v60 =	vsub.f32 v18, v55  }
0x15c: {  	p0 =	sne.s32 s26, $0x20;
	v12 =	vmul.f32 v61, v59;
	v6 =	vmul.f32 v58, v6;
	v7 =	vsub.f32 v7, v17  }
.Ltmp2:
0x15d: {  	v9 =	vand.u32 $0x80000000, v9;
	v62 =	vand.u32 $0x7FFFFFFF, v60;
	v5 =	vsub.f32 v5, v56;
	(pc) =	sbr.rel @p0 .LBB2_2-.Ltmp2, $4  }
0x15e: {  	[tilespmem:s21+$0x0] =	vst.add.f32.msk $0xffff, v8;
	v6 =	vxor.u32 v6, v9;
	v63 =	vmul.f32 v62, v60;
	v7 =	vand.u32 $0x80000000, v7  }
0x15f: {  	[tilespmem:s21+$0x0] =	vst.add.f32.msk $0xffff, v6;
	v6 =	vxor.u32 v12, v7;
	v5 =	vand.u32 $0x80000000, v5  }
0x160: {  	[tilespmem:s21+$0x0] =	vst.add.f32.msk $0xffff, v6;
	v5 =	vxor.u32 v63, v5  }
0x161: {  	[tilespmem:s21+$0x0] =	vst.add.f32.msk $0xffff, v5  }
0x162: {  	_ =	swait.ge [sflag:s17], $0x4000  }
0x163: {  	[sflag:s17] =	ssyncset.done $0x0  }
0x164: {  	[sflag:s17] =	ssyncadd.s32 $0xFFFFC000  }
0x165: {  	_ =	swait.ge [sflag:s17], $0x4000  }
0x166: {  	[sflag:s17] =	ssyncset.done $0x0  }
0x167: {  	[sflag:s17] =	ssyncadd.s32 $0xFFFFC000  }
0x168: {  	_ =	swait.ge [sflag:s17], $0x4000  }
0x169: {  	[sflag:s17] =	ssyncset.done $0x0  }
0x16a: {  	[sflag:s17] =	ssyncadd.s32 $0xFFFFC000  }
0x16b: {  	v5 =	vld [tilespmem:$0x18000]  }
0x16c: {  	v6 =	vld [tilespmem:$0x18010];
	_ =	sdelay $0x1  }
0x16d: {  	v7 =	vld [tilespmem:$0x18020];
	_ =	sdelay $0x1  }
0x16e: {  	v8 =	vld [tilespmem:$0x18030]  }
0x16f: {  	v5 =	vadd.f32 v6, v5;
	_ =	sdelay $0x1  }
0x170: {  	v5 =	vadd.f32 v7, v5;
	_ =	sdelay $0x1  }
0x171: {  	s25 =	sadd.s32 $0x1, s25;
	v5 =	vadd.f32 v8, v5  }
0x172: {  	p0 =	sne.s32 s25, s11  }
.Ltmp3:
0x173: {  	s0 =	simm.s32 $0x18080;
	[tilespmem:$0x18080] =	vst v5;
	(pc) =	sbr.rel @p0 .LBB2_1-.Ltmp3, $4  }
0x174: {  	[hbm4b:s10+s3] =	stream.linear.scatter [tilespmem:s0], [sflag:$0x3], $0x80, $0x38;
	[tilespmem:$0x18100] =	vst v63  }
0x175: {  	_ =	swait.ge [sflag:s24], $0x80  }
0x176: {  	[sflag:s24] =	ssyncset.done $0x0  }
0x177: {  	[sflag:s24] =	ssyncadd.s32 $0xFFFFFF80  }
0x178: {  	_ =	sfence.sel $0x180000  }
0x179: {  	[bflag:$0x0] =	sbarrier.arrive $0xFFFF  }
0x17a: {  	_ =	strace $0x90000047  }
0x17b: {  	s0 =	stileid.u32;
	[bflag:$0x2] =	sbarrier.arrive $0xFFFF  }
0x17c: {  	p0 =	sne.s32 s0, $0x0;
	s0 =	rddreg [dreg:$0x1]  }
0x17d: {  	s0 =	sadd.s32 @!p0 $0x100000, s0  }
0x17e: {  	[sflag:s0] =	ssyncadd.tile.s32 @!p0 $0x1;
	_ =	shalt  }
.Lfunc_end2:
_tile_overlayer_lowered:
.L_overlay_start_2:
0x17f: {  	(tag) =	ssettag $0x2  }
0x180: {  	s0 =	rddreg [dreg:$0x0];
	s2 =	stileid.u32  }
0x181: {  	s1 =	rddreg [dreg:$0x1];
	p0 =	sne.s32 s2, $0x0  }
0x182: {  	s3 =	rddreg [dreg:$0x2];
	[bflag:$0x3] =	sbarrier.arrive $0xFFFF;
	s2 =	simm.s32 @!p0 $0x1C03  }
0x183: {  	[timem:s3], [sflag:s2] =	dma.local @!p0 [hbm:s0], s1  }
0x184: {  	s0 =	simm.s32 @!p0 $0x3  }
0x185: {  	_ =	swait.ge @!p0 [sflag:s0], s1  }
0x186: {  	s1 =	ssub.s32 @!p0 $0x0, s1;
	[sflag:s0] =	ssyncset.done @!p0 $0x0  }
0x187: {  	[sflag:s0] =	ssyncadd.s32 @!p0 s1  }
0x188: {  	[bflag:$0x3] =	sbarrier.arrive $0xFFFF  }
0x189: {  	_ =	shalt  }

</sc_bundles>
